<compile_context>
chip_gen: v7x
topology: tpu7x:2x2x1
jax: 0.10.2.dev20260603
libtpu: 0.0.44.dev20260713+nightly
codegen_flags: <defaults>
</compile_context>

<pallas_src>
import jax
import jax.numpy as jnp
from jax import lax
from jax.experimental import pallas as pl
from jax.experimental.pallas import tpu as pltpu
from jax.experimental.pallas import tpu_sc as plsc

_N = 16384 * 128
_NW = 32
_PER_W = _N // _NW
_CHUNK = 8192
_NCHUNK = _PER_W // _CHUNK
_L = 16
_SEQ = 1000000
_SEQ_PART = 62496
_STAGE = 8192


def _bsgen_body(src_hbm, seq_hbm, idx_hbm, out_hbm, seq_sh, idx0, idx1, gat0,
                gat1, src0, src1, out0, out1, si0, si1, sg0, sg1, ss0, ss1,
                so0, so1, st0, st1, st2, st3):
    sid = lax.axis_index("s")
    wid = sid * 2 + lax.axis_index("c")
    base = wid * _PER_W

    idx = (idx0, idx1)
    gat = (gat0, gat1)
    src = (src0, src1)
    out = (out0, out1)
    si = (si0, si1)
    sg = (sg0, sg1)
    ss = (ss0, ss1)
    so = (so0, so1)

    def fire_idx(c):
        b = c & 1
        return pltpu.async_copy(
            idx_hbm.at[pl.ds(base + c * _CHUNK, _CHUNK)], idx[b], si[b])

    def fire_src(c):
        b = c & 1
        return pltpu.async_copy(
            src_hbm.at[pl.ds(base + c * _CHUNK, _CHUNK)], src[b], ss[b])

    icp = {0: fire_idx(0), 1: fire_idx(1)}
    scp = {0: fire_src(0), 1: fire_src(1)}

    sbase = sid * _SEQ_PART
    sizes = [_STAGE] * (_SEQ_PART // _STAGE) + [_SEQ_PART % _STAGE]
    nst = len(sizes)
    sbufs = (gat0, gat1, out0, out1)
    sisems = (st0, st1, st2, st3)
    sosems = (sg0, sg1, so0, so1)

    def fire_stage_in(k):
        b = k % 4
        return pltpu.async_copy(
            seq_hbm.at[pl.ds(sbase + k * _STAGE, sizes[k])],
            sbufs[b].at[pl.ds(0, sizes[k])], sisems[b])

    def fire_stage_out(k):
        b = k % 4
        return pltpu.async_copy(
            sbufs[b].at[pl.ds(0, sizes[k])],
            seq_sh.at[pl.ds(sbase + k * _STAGE, sizes[k])], sosems[b])

    sin = {k: fire_stage_in(k) for k in range(min(4, nst))}
    sout = {}
    for k in range(nst):
        sin.pop(k).wait()
        sout[k] = fire_stage_out(k)
        if k + 4 < nst:
            sout.pop(k).wait()
            sin[k + 4] = fire_stage_in(k + 4)
    for k in sorted(sout):
        sout.pop(k).wait()

    @pl.when(sid == 15)
    def _copy_tail():
        tail = 16 * _SEQ_PART
        pltpu.sync_copy(seq_hbm.at[pl.ds(tail, _SEQ - tail)],
                        gat0.at[pl.ds(0, _SEQ - tail)])
        pltpu.sync_copy(gat0.at[pl.ds(0, _SEQ - tail)],
                        seq_sh.at[pl.ds(tail, _SEQ - tail)])

    plsc.subcore_barrier()

    def fire_gather(c):
        b = c & 1
        return pltpu.async_copy(seq_sh.at[idx[b]], gat[b], sg[b])

    icp.pop(0).wait()
    gcp = {0: fire_gather(0)}
    ocp = {}

    for c in range(_NCHUNK):
        b = c & 1
        if c + 1 < _NCHUNK:
            icp.pop(c + 1).wait()
            gcp[c + 1] = fire_gather(c + 1)
        gcp.pop(c).wait()
        scp.pop(c).wait()
        if c - 2 >= 0:
            ocp.pop(c - 2).wait()

        def cmp_body(i, b=b):
            sv = src[b][pl.ds(i, _L)]
            gv = gat[b][pl.ds(i, _L)]
            out[b][pl.ds(i, _L)] = jnp.where(
                sv > gv, jnp.float32(1.0), jnp.float32(0.0))

        plsc.parallel_loop(0, _CHUNK, _L, unroll=8)(cmp_body)
        ocp[c] = pltpu.async_copy(
            out[b], out_hbm.at[pl.ds(base + c * _CHUNK, _CHUNK)], so[b])
        if c + 2 < _NCHUNK:
            icp[c + 2] = fire_idx(c + 2)
            scp[c + 2] = fire_src(c + 2)

    ocp.pop(_NCHUNK - 2).wait()
    ocp.pop(_NCHUNK - 1).wait()


@jax.jit
def _bsgen(src, seq, idx):
    mesh = plsc.VectorSubcoreMesh(core_axis_name="c", subcore_axis_name="s")
    return pl.kernel(
        _bsgen_body,
        out_type=jax.ShapeDtypeStruct((_N,), jnp.float32),
        mesh=mesh,
        scratch_types=[
            pltpu.VMEM_SHARED((_SEQ,), jnp.float32),
            pltpu.VMEM((_CHUNK,), jnp.int32),
            pltpu.VMEM((_CHUNK,), jnp.int32),
            pltpu.VMEM((_CHUNK,), jnp.float32),
            pltpu.VMEM((_CHUNK,), jnp.float32),
            pltpu.VMEM((_CHUNK,), jnp.float32),
            pltpu.VMEM((_CHUNK,), jnp.float32),
            pltpu.VMEM((_CHUNK,), jnp.float32),
            pltpu.VMEM((_CHUNK,), jnp.float32),
            pltpu.SemaphoreType.DMA,
            pltpu.SemaphoreType.DMA,
            pltpu.SemaphoreType.DMA,
            pltpu.SemaphoreType.DMA,
            pltpu.SemaphoreType.DMA,
            pltpu.SemaphoreType.DMA,
            pltpu.SemaphoreType.DMA,
            pltpu.SemaphoreType.DMA,
            pltpu.SemaphoreType.DMA,
            pltpu.SemaphoreType.DMA,
            pltpu.SemaphoreType.DMA,
            pltpu.SemaphoreType.DMA,
        ],
    )(src, seq, idx)


def kernel(source, rng_seq, rng_idx):
    idx = rng_idx.astype(jnp.int32).reshape(_N)
    src = source.reshape(_N)
    out = _bsgen(src, rng_seq, idx)
    return out.reshape(source.shape)

# --- scband reference (transcript-rebuilt; emitter-appended) ---
"""Pipeline reference for scband-bsgen-24670292149031 (READ-ONLY COPY).

The authoritative reference and input builder live on the scoring server;
editing this copy changes nothing except your own understanding.
"""

import jax, jax.numpy as jnp
import numpy as np


def setup_inputs(seed: int = 0) -> dict:
    key = jax.random.key(seed)
    k1, k2, k3 = jax.random.split(key, 3)
    # Learned/stored parameters (from __init__): source probabilities and rng sequence,
    # both in [0, 1) as typical for stochastic-computing bit-stream generation.
    source = jax.random.uniform(k1, (16384, 128), dtype=jnp.float32)
    rng_seq = jax.random.uniform(k2, (1000000,), dtype=jnp.float32)
    # Forward arg: rng_idx selects entries of rng_seq (one per source element).
    rng_idx = jax.random.randint(k3, (16384, 128), 0, 1000000, dtype=jnp.int64)
    return {"source": source, "rng_seq": rng_seq, "rng_idx": rng_idx}


def reference(source, rng_seq, rng_idx):
    # torch.gt(self.source, self.rng_seq[rng_idx.long()]).type(self.stype)
    gathered = jnp.take(rng_seq, rng_idx.astype(jnp.int64), axis=0)
    return jnp.greater(source, gathered).astype(jnp.float32)

if __name__ == "__main__":
    import jax
    _d = setup_inputs()
    print(jax.jit(kernel)(*tuple(_d.values())))

</pallas_src>

<mosaic_0001>
#map = affine_map<(d0, d1) -> (0)>
module attributes {stable_mosaic.version = 14 : i64} {
  func.func @_bsgen_body(%arg0: i32, %arg1: i32, %arg2: memref<2097152xf32, #tpu.memory_space<hbm>>, %arg3: memref<1000000xf32, #tpu.memory_space<hbm>>, %arg4: memref<2097152xi32, #tpu.memory_space<hbm>>, %arg5: memref<2097152xf32, #tpu.memory_space<hbm>>, %arg6: memref<1000000xf32, #tpu.memory_space<vmem_shared>>, %arg7: memref<8192xi32, #tpu.memory_space<vmem>>, %arg8: memref<8192xi32, #tpu.memory_space<vmem>>, %arg9: memref<8192xf32, #tpu.memory_space<vmem>>, %arg10: memref<8192xf32, #tpu.memory_space<vmem>>, %arg11: memref<8192xf32, #tpu.memory_space<vmem>>, %arg12: memref<8192xf32, #tpu.memory_space<vmem>>, %arg13: memref<8192xf32, #tpu.memory_space<vmem>>, %arg14: memref<8192xf32, #tpu.memory_space<vmem>>, %arg15: memref<!tpu.dma_semaphore, #tpu.memory_space<semaphore_mem>>, %arg16: memref<!tpu.dma_semaphore, #tpu.memory_space<semaphore_mem>>, %arg17: memref<!tpu.dma_semaphore, #tpu.memory_space<semaphore_mem>>, %arg18: memref<!tpu.dma_semaphore, #tpu.memory_space<semaphore_mem>>, %arg19: memref<!tpu.dma_semaphore, #tpu.memory_space<semaphore_mem>>, %arg20: memref<!tpu.dma_semaphore, #tpu.memory_space<semaphore_mem>>, %arg21: memref<!tpu.dma_semaphore, #tpu.memory_space<semaphore_mem>>, %arg22: memref<!tpu.dma_semaphore, #tpu.memory_space<semaphore_mem>>, %arg23: memref<!tpu.dma_semaphore, #tpu.memory_space<semaphore_mem>>, %arg24: memref<!tpu.dma_semaphore, #tpu.memory_space<semaphore_mem>>, %arg25: memref<!tpu.dma_semaphore, #tpu.memory_space<semaphore_mem>>, %arg26: memref<!tpu.dma_semaphore, #tpu.memory_space<semaphore_mem>>) attributes {dimension_semantics = [#tpu.dimension_semantics<core_parallel>, #tpu.dimension_semantics<subcore_parallel>], iteration_bounds = array<i64: 2, 16>, scalar_prefetch = 0 : i64, scratch_operands = 21 : i64, tpu.core_type = #tpu.core_type<sc_vector_subcore>, window_params = [{transform_indices = #map}, {transform_indices = #map}, {transform_indices = #map}, {transform_indices = #map}]} {
    %mul3A = arith.constant 2 : i32
    %mul3A_0 = arith.muli %arg1, %mul3A : i32
    %add3A = arith.addi %mul3A_0, %arg0 : i32
    %mul3A_1 = arith.constant 65536 : i32
    %mul3A_2 = arith.muli %add3A, %mul3A_1 : i32
    %add3A_3 = arith.constant 0 : i32
    %add3A_4 = arith.addi %mul3A_2, %add3A_3 : i32
    %dma_start3A = tpu.memref_slice %arg4[%add3A_4] : memref<2097152xi32, #tpu.memory_space<hbm>> -> memref<8192xi32, #tpu.memory_space<hbm>>
    %dma_start3A_5 = tpu.memref_slice %arg4[%add3A_4] : memref<2097152xi32, #tpu.memory_space<hbm>> -> memref<8192xi32, #tpu.memory_space<hbm>>
    tpu.enqueue_dma source(%dma_start3A_5 : memref<8192xi32, #tpu.memory_space<hbm>>) target(%arg7 : memref<8192xi32, #tpu.memory_space<vmem>>) target_semaphore(%arg15 : memref<!tpu.dma_semaphore, #tpu.memory_space<semaphore_mem>>)
    %add3A_6 = arith.constant 8192 : i32
    %add3A_7 = arith.addi %mul3A_2, %add3A_6 : i32
    %dma_start3A_8 = tpu.memref_slice %arg4[%add3A_7] : memref<2097152xi32, #tpu.memory_space<hbm>> -> memref<8192xi32, #tpu.memory_space<hbm>>
    %dma_start3A_9 = tpu.memref_slice %arg4[%add3A_7] : memref<2097152xi32, #tpu.memory_space<hbm>> -> memref<8192xi32, #tpu.memory_space<hbm>>
    tpu.enqueue_dma source(%dma_start3A_9 : memref<8192xi32, #tpu.memory_space<hbm>>) target(%arg8 : memref<8192xi32, #tpu.memory_space<vmem>>) target_semaphore(%arg16 : memref<!tpu.dma_semaphore, #tpu.memory_space<semaphore_mem>>)
    %add3A_10 = arith.constant 0 : i32
    %add3A_11 = arith.addi %mul3A_2, %add3A_10 : i32
    %dma_start3A_12 = tpu.memref_slice %arg2[%add3A_11] : memref<2097152xf32, #tpu.memory_space<hbm>> -> memref<8192xf32, #tpu.memory_space<hbm>>
    %dma_start3A_13 = tpu.memref_slice %arg2[%add3A_11] : memref<2097152xf32, #tpu.memory_space<hbm>> -> memref<8192xf32, #tpu.memory_space<hbm>>
    tpu.enqueue_dma source(%dma_start3A_13 : memref<8192xf32, #tpu.memory_space<hbm>>) target(%arg11 : memref<8192xf32, #tpu.memory_space<vmem>>) target_semaphore(%arg19 : memref<!tpu.dma_semaphore, #tpu.memory_space<semaphore_mem>>)
    %add3A_14 = arith.constant 8192 : i32
    %add3A_15 = arith.addi %mul3A_2, %add3A_14 : i32
    %dma_start3A_16 = tpu.memref_slice %arg2[%add3A_15] : memref<2097152xf32, #tpu.memory_space<hbm>> -> memref<8192xf32, #tpu.memory_space<hbm>>
    %dma_start3A_17 = tpu.memref_slice %arg2[%add3A_15] : memref<2097152xf32, #tpu.memory_space<hbm>> -> memref<8192xf32, #tpu.memory_space<hbm>>
    tpu.enqueue_dma source(%dma_start3A_17 : memref<8192xf32, #tpu.memory_space<hbm>>) target(%arg12 : memref<8192xf32, #tpu.memory_space<vmem>>) target_semaphore(%arg20 : memref<!tpu.dma_semaphore, #tpu.memory_space<semaphore_mem>>)
    %mul3A_18 = arith.constant 62496 : i32
    %mul3A_19 = arith.muli %arg1, %mul3A_18 : i32
    %add3A_20 = arith.constant 0 : i32
    %add3A_21 = arith.addi %mul3A_19, %add3A_20 : i32
    %dma_start3A_22 = arith.constant 0 : i32
    %dma_start3A_23 = tpu.memref_slice %arg9[%dma_start3A_22] : memref<8192xf32, #tpu.memory_space<vmem>> -> memref<8192xf32, #tpu.memory_space<vmem>>
    %dma_start3A_24 = tpu.memref_slice %arg3[%add3A_21] : memref<1000000xf32, #tpu.memory_space<hbm>> -> memref<8192xf32, #tpu.memory_space<hbm>>
    %dma_start3A_25 = arith.constant 0 : i32
    %dma_start3A_26 = tpu.memref_slice %arg9[%dma_start3A_25] : memref<8192xf32, #tpu.memory_space<vmem>> -> memref<8192xf32, #tpu.memory_space<vmem>>
    %dma_start3A_27 = tpu.memref_slice %arg3[%add3A_21] : memref<1000000xf32, #tpu.memory_space<hbm>> -> memref<8192xf32, #tpu.memory_space<hbm>>
    tpu.enqueue_dma source(%dma_start3A_27 : memref<8192xf32, #tpu.memory_space<hbm>>) target(%dma_start3A_26 : memref<8192xf32, #tpu.memory_space<vmem>>) target_semaphore(%arg23 : memref<!tpu.dma_semaphore, #tpu.memory_space<semaphore_mem>>)
    %add3A_28 = arith.constant 8192 : i32
    %add3A_29 = arith.addi %mul3A_19, %add3A_28 : i32
    %dma_start3A_30 = arith.constant 0 : i32
    %dma_start3A_31 = tpu.memref_slice %arg10[%dma_start3A_30] : memref<8192xf32, #tpu.memory_space<vmem>> -> memref<8192xf32, #tpu.memory_space<vmem>>
    %dma_start3A_32 = tpu.memref_slice %arg3[%add3A_29] : memref<1000000xf32, #tpu.memory_space<hbm>> -> memref<8192xf32, #tpu.memory_space<hbm>>
    %dma_start3A_33 = arith.constant 0 : i32
    %dma_start3A_34 = tpu.memref_slice %arg10[%dma_start3A_33] : memref<8192xf32, #tpu.memory_space<vmem>> -> memref<8192xf32, #tpu.memory_space<vmem>>
    %dma_start3A_35 = tpu.memref_slice %arg3[%add3A_29] : memref<1000000xf32, #tpu.memory_space<hbm>> -> memref<8192xf32, #tpu.memory_space<hbm>>
    tpu.enqueue_dma source(%dma_start3A_35 : memref<8192xf32, #tpu.memory_space<hbm>>) target(%dma_start3A_34 : memref<8192xf32, #tpu.memory_space<vmem>>) target_semaphore(%arg24 : memref<!tpu.dma_semaphore, #tpu.memory_space<semaphore_mem>>)
    %add3A_36 = arith.constant 16384 : i32
    %add3A_37 = arith.addi %mul3A_19, %add3A_36 : i32
    %dma_start3A_38 = arith.constant 0 : i32
    %dma_start3A_39 = tpu.memref_slice %arg13[%dma_start3A_38] : memref<8192xf32, #tpu.memory_space<vmem>> -> memref<8192xf32, #tpu.memory_space<vmem>>
    %dma_start3A_40 = tpu.memref_slice %arg3[%add3A_37] : memref<1000000xf32, #tpu.memory_space<hbm>> -> memref<8192xf32, #tpu.memory_space<hbm>>
    %dma_start3A_41 = arith.constant 0 : i32
    %dma_start3A_42 = tpu.memref_slice %arg13[%dma_start3A_41] : memref<8192xf32, #tpu.memory_space<vmem>> -> memref<8192xf32, #tpu.memory_space<vmem>>
    %dma_start3A_43 = tpu.memref_slice %arg3[%add3A_37] : memref<1000000xf32, #tpu.memory_space<hbm>> -> memref<8192xf32, #tpu.memory_space<hbm>>
    tpu.enqueue_dma source(%dma_start3A_43 : memref<8192xf32, #tpu.memory_space<hbm>>) target(%dma_start3A_42 : memref<8192xf32, #tpu.memory_space<vmem>>) target_semaphore(%arg25 : memref<!tpu.dma_semaphore, #tpu.memory_space<semaphore_mem>>)
    %add3A_44 = arith.constant 24576 : i32
    %add3A_45 = arith.addi %mul3A_19, %add3A_44 : i32
    %dma_start3A_46 = arith.constant 0 : i32
    %dma_start3A_47 = tpu.memref_slice %arg14[%dma_start3A_46] : memref<8192xf32, #tpu.memory_space<vmem>> -> memref<8192xf32, #tpu.memory_space<vmem>>
    %dma_start3A_48 = tpu.memref_slice %arg3[%add3A_45] : memref<1000000xf32, #tpu.memory_space<hbm>> -> memref<8192xf32, #tpu.memory_space<hbm>>
    %dma_start3A_49 = arith.constant 0 : i32
    %dma_start3A_50 = tpu.memref_slice %arg14[%dma_start3A_49] : memref<8192xf32, #tpu.memory_space<vmem>> -> memref<8192xf32, #tpu.memory_space<vmem>>
    %dma_start3A_51 = tpu.memref_slice %arg3[%add3A_45] : memref<1000000xf32, #tpu.memory_space<hbm>> -> memref<8192xf32, #tpu.memory_space<hbm>>
    tpu.enqueue_dma source(%dma_start3A_51 : memref<8192xf32, #tpu.memory_space<hbm>>) target(%dma_start3A_50 : memref<8192xf32, #tpu.memory_space<vmem>>) target_semaphore(%arg26 : memref<!tpu.dma_semaphore, #tpu.memory_space<semaphore_mem>>)
    %dma_wait3A = arith.constant 0 : i32
    %dma_wait3A_52 = tpu.memref_slice %arg9[%dma_wait3A] : memref<8192xf32, #tpu.memory_space<vmem>> -> memref<8192xf32, #tpu.memory_space<vmem>>
    %dma_wait3A_53 = tpu.memref_slice %arg3[%add3A_21] : memref<1000000xf32, #tpu.memory_space<hbm>> -> memref<8192xf32, #tpu.memory_space<hbm>>
    %dma_wait3A_54 = arith.constant 0 : i32
    %dma_wait3A_55 = tpu.memref_slice %arg9[%dma_wait3A_54] : memref<8192xf32, #tpu.memory_space<vmem>> -> memref<8192xf32, #tpu.memory_space<vmem>>
    %dma_wait3A_56 = tpu.memref_slice %arg3[%add3A_21] : memref<1000000xf32, #tpu.memory_space<hbm>> -> memref<8192xf32, #tpu.memory_space<hbm>>
    tpu.wait_dma2 semaphore(%arg23 : memref<!tpu.dma_semaphore, #tpu.memory_space<semaphore_mem>>) src(%dma_wait3A_56 : memref<8192xf32, #tpu.memory_space<hbm>>) dst(%dma_wait3A_55 : memref<8192xf32, #tpu.memory_space<vmem>>)
    %add3A_57 = arith.constant 0 : i32
    %add3A_58 = arith.addi %mul3A_19, %add3A_57 : i32
    %dma_start3A_59 = arith.constant 0 : i32
    %dma_start3A_60 = tpu.memref_slice %arg9[%dma_start3A_59] : memref<8192xf32, #tpu.memory_space<vmem>> -> memref<8192xf32, #tpu.memory_space<vmem>>
    %dma_start3A_61 = tpu.memref_slice %arg6[%add3A_58] : memref<1000000xf32, #tpu.memory_space<vmem_shared>> -> memref<8192xf32, #tpu.memory_space<vmem_shared>>
    %dma_start3A_62 = tpu.memref_slice %arg6[%add3A_58] : memref<1000000xf32, #tpu.memory_space<vmem_shared>> -> memref<8192xf32, #tpu.memory_space<vmem_shared>>
    %dma_start3A_63 = arith.constant 0 : i32
    %dma_start3A_64 = tpu.memref_slice %arg9[%dma_start3A_63] : memref<8192xf32, #tpu.memory_space<vmem>> -> memref<8192xf32, #tpu.memory_space<vmem>>
    tpu.enqueue_dma source(%dma_start3A_64 : memref<8192xf32, #tpu.memory_space<vmem>>) target(%dma_start3A_62 : memref<8192xf32, #tpu.memory_space<vmem_shared>>) target_semaphore(%arg17 : memref<!tpu.dma_semaphore, #tpu.memory_space<semaphore_mem>>)
    %dma_wait3A_65 = arith.constant 0 : i32
    %dma_wait3A_66 = tpu.memref_slice %arg9[%dma_wait3A_65] : memref<8192xf32, #tpu.memory_space<vmem>> -> memref<8192xf32, #tpu.memory_space<vmem>>
    %dma_wait3A_67 = tpu.memref_slice %arg6[%add3A_58] : memref<1000000xf32, #tpu.memory_space<vmem_shared>> -> memref<8192xf32, #tpu.memory_space<vmem_shared>>
    %dma_wait3A_68 = tpu.memref_slice %arg6[%add3A_58] : memref<1000000xf32, #tpu.memory_space<vmem_shared>> -> memref<8192xf32, #tpu.memory_space<vmem_shared>>
    %dma_wait3A_69 = arith.constant 0 : i32
    %dma_wait3A_70 = tpu.memref_slice %arg9[%dma_wait3A_69] : memref<8192xf32, #tpu.memory_space<vmem>> -> memref<8192xf32, #tpu.memory_space<vmem>>
    tpu.wait_dma2 semaphore(%arg17 : memref<!tpu.dma_semaphore, #tpu.memory_space<semaphore_mem>>) src(%dma_wait3A_70 : memref<8192xf32, #tpu.memory_space<vmem>>) dst(%dma_wait3A_68 : memref<8192xf32, #tpu.memory_space<vmem_shared>>)
    %add3A_71 = arith.constant 32768 : i32
    %add3A_72 = arith.addi %mul3A_19, %add3A_71 : i32
    %dma_start3A_73 = arith.constant 0 : i32
    %dma_start3A_74 = tpu.memref_slice %arg9[%dma_start3A_73] : memref<8192xf32, #tpu.memory_space<vmem>> -> memref<8192xf32, #tpu.memory_space<vmem>>
    %dma_start3A_75 = tpu.memref_slice %arg3[%add3A_72] : memref<1000000xf32, #tpu.memory_space<hbm>> -> memref<8192xf32, #tpu.memory_space<hbm>>
    %dma_start3A_76 = arith.constant 0 : i32
    %dma_start3A_77 = tpu.memref_slice %arg9[%dma_start3A_76] : memref<8192xf32, #tpu.memory_space<vmem>> -> memref<8192xf32, #tpu.memory_space<vmem>>
    %dma_start3A_78 = tpu.memref_slice %arg3[%add3A_72] : memref<1000000xf32, #tpu.memory_space<hbm>> -> memref<8192xf32, #tpu.memory_space<hbm>>
    tpu.enqueue_dma source(%dma_start3A_78 : memref<8192xf32, #tpu.memory_space<hbm>>) target(%dma_start3A_77 : memref<8192xf32, #tpu.memory_space<vmem>>) target_semaphore(%arg23 : memref<!tpu.dma_semaphore, #tpu.memory_space<semaphore_mem>>)
    %dma_wait3A_79 = arith.constant 0 : i32
    %dma_wait3A_80 = tpu.memref_slice %arg10[%dma_wait3A_79] : memref<8192xf32, #tpu.memory_space<vmem>> -> memref<8192xf32, #tpu.memory_space<vmem>>
    %dma_wait3A_81 = tpu.memref_slice %arg3[%add3A_29] : memref<1000000xf32, #tpu.memory_space<hbm>> -> memref<8192xf32, #tpu.memory_space<hbm>>
    %dma_wait3A_82 = arith.constant 0 : i32
    %dma_wait3A_83 = tpu.memref_slice %arg10[%dma_wait3A_82] : memref<8192xf32, #tpu.memory_space<vmem>> -> memref<8192xf32, #tpu.memory_space<vmem>>
    %dma_wait3A_84 = tpu.memref_slice %arg3[%add3A_29] : memref<1000000xf32, #tpu.memory_space<hbm>> -> memref<8192xf32, #tpu.memory_space<hbm>>
    tpu.wait_dma2 semaphore(%arg24 : memref<!tpu.dma_semaphore, #tpu.memory_space<semaphore_mem>>) src(%dma_wait3A_84 : memref<8192xf32, #tpu.memory_space<hbm>>) dst(%dma_wait3A_83 : memref<8192xf32, #tpu.memory_space<vmem>>)
    %add3A_85 = arith.constant 8192 : i32
    %add3A_86 = arith.addi %mul3A_19, %add3A_85 : i32
    %dma_start3A_87 = arith.constant 0 : i32
    %dma_start3A_88 = tpu.memref_slice %arg10[%dma_start3A_87] : memref<8192xf32, #tpu.memory_space<vmem>> -> memref<8192xf32, #tpu.memory_space<vmem>>
    %dma_start3A_89 = tpu.memref_slice %arg6[%add3A_86] : memref<1000000xf32, #tpu.memory_space<vmem_shared>> -> memref<8192xf32, #tpu.memory_space<vmem_shared>>
    %dma_start3A_90 = tpu.memref_slice %arg6[%add3A_86] : memref<1000000xf32, #tpu.memory_space<vmem_shared>> -> memref<8192xf32, #tpu.memory_space<vmem_shared>>
    %dma_start3A_91 = arith.constant 0 : i32
    %dma_start3A_92 = tpu.memref_slice %arg10[%dma_start3A_91] : memref<8192xf32, #tpu.memory_space<vmem>> -> memref<8192xf32, #tpu.memory_space<vmem>>
    tpu.enqueue_dma source(%dma_start3A_92 : memref<8192xf32, #tpu.memory_space<vmem>>) target(%dma_start3A_90 : memref<8192xf32, #tpu.memory_space<vmem_shared>>) target_semaphore(%arg18 : memref<!tpu.dma_semaphore, #tpu.memory_space<semaphore_mem>>)
    %dma_wait3A_93 = arith.constant 0 : i32
    %dma_wait3A_94 = tpu.memref_slice %arg10[%dma_wait3A_93] : memref<8192xf32, #tpu.memory_space<vmem>> -> memref<8192xf32, #tpu.memory_space<vmem>>
    %dma_wait3A_95 = tpu.memref_slice %arg6[%add3A_86] : memref<1000000xf32, #tpu.memory_space<vmem_shared>> -> memref<8192xf32, #tpu.memory_space<vmem_shared>>
    %dma_wait3A_96 = tpu.memref_slice %arg6[%add3A_86] : memref<1000000xf32, #tpu.memory_space<vmem_shared>> -> memref<8192xf32, #tpu.memory_space<vmem_shared>>
    %dma_wait3A_97 = arith.constant 0 : i32
    %dma_wait3A_98 = tpu.memref_slice %arg10[%dma_wait3A_97] : memref<8192xf32, #tpu.memory_space<vmem>> -> memref<8192xf32, #tpu.memory_space<vmem>>
    tpu.wait_dma2 semaphore(%arg18 : memref<!tpu.dma_semaphore, #tpu.memory_space<semaphore_mem>>) src(%dma_wait3A_98 : memref<8192xf32, #tpu.memory_space<vmem>>) dst(%dma_wait3A_96 : memref<8192xf32, #tpu.memory_space<vmem_shared>>)
    %add3A_99 = arith.constant 40960 : i32
    %add3A_100 = arith.addi %mul3A_19, %add3A_99 : i32
    %dma_start3A_101 = arith.constant 0 : i32
    %dma_start3A_102 = tpu.memref_slice %arg10[%dma_start3A_101] : memref<8192xf32, #tpu.memory_space<vmem>> -> memref<8192xf32, #tpu.memory_space<vmem>>
    %dma_start3A_103 = tpu.memref_slice %arg3[%add3A_100] : memref<1000000xf32, #tpu.memory_space<hbm>> -> memref<8192xf32, #tpu.memory_space<hbm>>
    %dma_start3A_104 = arith.constant 0 : i32
    %dma_start3A_105 = tpu.memref_slice %arg10[%dma_start3A_104] : memref<8192xf32, #tpu.memory_space<vmem>> -> memref<8192xf32, #tpu.memory_space<vmem>>
    %dma_start3A_106 = tpu.memref_slice %arg3[%add3A_100] : memref<1000000xf32, #tpu.memory_space<hbm>> -> memref<8192xf32, #tpu.memory_space<hbm>>
    tpu.enqueue_dma source(%dma_start3A_106 : memref<8192xf32, #tpu.memory_space<hbm>>) target(%dma_start3A_105 : memref<8192xf32, #tpu.memory_space<vmem>>) target_semaphore(%arg24 : memref<!tpu.dma_semaphore, #tpu.memory_space<semaphore_mem>>)
    %dma_wait3A_107 = arith.constant 0 : i32
    %dma_wait3A_108 = tpu.memref_slice %arg13[%dma_wait3A_107] : memref<8192xf32, #tpu.memory_space<vmem>> -> memref<8192xf32, #tpu.memory_space<vmem>>
    %dma_wait3A_109 = tpu.memref_slice %arg3[%add3A_37] : memref<1000000xf32, #tpu.memory_space<hbm>> -> memref<8192xf32, #tpu.memory_space<hbm>>
    %dma_wait3A_110 = arith.constant 0 : i32
    %dma_wait3A_111 = tpu.memref_slice %arg13[%dma_wait3A_110] : memref<8192xf32, #tpu.memory_space<vmem>> -> memref<8192xf32, #tpu.memory_space<vmem>>
    %dma_wait3A_112 = tpu.memref_slice %arg3[%add3A_37] : memref<1000000xf32, #tpu.memory_space<hbm>> -> memref<8192xf32, #tpu.memory_space<hbm>>
    tpu.wait_dma2 semaphore(%arg25 : memref<!tpu.dma_semaphore, #tpu.memory_space<semaphore_mem>>) src(%dma_wait3A_112 : memref<8192xf32, #tpu.memory_space<hbm>>) dst(%dma_wait3A_111 : memref<8192xf32, #tpu.memory_space<vmem>>)
    %add3A_113 = arith.constant 16384 : i32
    %add3A_114 = arith.addi %mul3A_19, %add3A_113 : i32
    %dma_start3A_115 = arith.constant 0 : i32
    %dma_start3A_116 = tpu.memref_slice %arg13[%dma_start3A_115] : memref<8192xf32, #tpu.memory_space<vmem>> -> memref<8192xf32, #tpu.memory_space<vmem>>
    %dma_start3A_117 = tpu.memref_slice %arg6[%add3A_114] : memref<1000000xf32, #tpu.memory_space<vmem_shared>> -> memref<8192xf32, #tpu.memory_space<vmem_shared>>
    %dma_start3A_118 = tpu.memref_slice %arg6[%add3A_114] : memref<1000000xf32, #tpu.memory_space<vmem_shared>> -> memref<8192xf32, #tpu.memory_space<vmem_shared>>
    %dma_start3A_119 = arith.constant 0 : i32
    %dma_start3A_120 = tpu.memref_slice %arg13[%dma_start3A_119] : memref<8192xf32, #tpu.memory_space<vmem>> -> memref<8192xf32, #tpu.memory_space<vmem>>
    tpu.enqueue_dma source(%dma_start3A_120 : memref<8192xf32, #tpu.memory_space<vmem>>) target(%dma_start3A_118 : memref<8192xf32, #tpu.memory_space<vmem_shared>>) target_semaphore(%arg21 : memref<!tpu.dma_semaphore, #tpu.memory_space<semaphore_mem>>)
    %dma_wait3A_121 = arith.constant 0 : i32
    %dma_wait3A_122 = tpu.memref_slice %arg13[%dma_wait3A_121] : memref<8192xf32, #tpu.memory_space<vmem>> -> memref<8192xf32, #tpu.memory_space<vmem>>
    %dma_wait3A_123 = tpu.memref_slice %arg6[%add3A_114] : memref<1000000xf32, #tpu.memory_space<vmem_shared>> -> memref<8192xf32, #tpu.memory_space<vmem_shared>>
    %dma_wait3A_124 = tpu.memref_slice %arg6[%add3A_114] : memref<1000000xf32, #tpu.memory_space<vmem_shared>> -> memref<8192xf32, #tpu.memory_space<vmem_shared>>
    %dma_wait3A_125 = arith.constant 0 : i32
    %dma_wait3A_126 = tpu.memref_slice %arg13[%dma_wait3A_125] : memref<8192xf32, #tpu.memory_space<vmem>> -> memref<8192xf32, #tpu.memory_space<vmem>>
    tpu.wait_dma2 semaphore(%arg21 : memref<!tpu.dma_semaphore, #tpu.memory_space<semaphore_mem>>) src(%dma_wait3A_126 : memref<8192xf32, #tpu.memory_space<vmem>>) dst(%dma_wait3A_124 : memref<8192xf32, #tpu.memory_space<vmem_shared>>)
    %add3A_127 = arith.constant 49152 : i32
    %add3A_128 = arith.addi %mul3A_19, %add3A_127 : i32
    %dma_start3A_129 = arith.constant 0 : i32
    %dma_start3A_130 = tpu.memref_slice %arg13[%dma_start3A_129] : memref<8192xf32, #tpu.memory_space<vmem>> -> memref<8192xf32, #tpu.memory_space<vmem>>
    %dma_start3A_131 = tpu.memref_slice %arg3[%add3A_128] : memref<1000000xf32, #tpu.memory_space<hbm>> -> memref<8192xf32, #tpu.memory_space<hbm>>
    %dma_start3A_132 = arith.constant 0 : i32
    %dma_start3A_133 = tpu.memref_slice %arg13[%dma_start3A_132] : memref<8192xf32, #tpu.memory_space<vmem>> -> memref<8192xf32, #tpu.memory_space<vmem>>
    %dma_start3A_134 = tpu.memref_slice %arg3[%add3A_128] : memref<1000000xf32, #tpu.memory_space<hbm>> -> memref<8192xf32, #tpu.memory_space<hbm>>
    tpu.enqueue_dma source(%dma_start3A_134 : memref<8192xf32, #tpu.memory_space<hbm>>) target(%dma_start3A_133 : memref<8192xf32, #tpu.memory_space<vmem>>) target_semaphore(%arg25 : memref<!tpu.dma_semaphore, #tpu.memory_space<semaphore_mem>>)
    %dma_wait3A_135 = arith.constant 0 : i32
    %dma_wait3A_136 = tpu.memref_slice %arg14[%dma_wait3A_135] : memref<8192xf32, #tpu.memory_space<vmem>> -> memref<8192xf32, #tpu.memory_space<vmem>>
    %dma_wait3A_137 = tpu.memref_slice %arg3[%add3A_45] : memref<1000000xf32, #tpu.memory_space<hbm>> -> memref<8192xf32, #tpu.memory_space<hbm>>
    %dma_wait3A_138 = arith.constant 0 : i32
    %dma_wait3A_139 = tpu.memref_slice %arg14[%dma_wait3A_138] : memref<8192xf32, #tpu.memory_space<vmem>> -> memref<8192xf32, #tpu.memory_space<vmem>>
    %dma_wait3A_140 = tpu.memref_slice %arg3[%add3A_45] : memref<1000000xf32, #tpu.memory_space<hbm>> -> memref<8192xf32, #tpu.memory_space<hbm>>
    tpu.wait_dma2 semaphore(%arg26 : memref<!tpu.dma_semaphore, #tpu.memory_space<semaphore_mem>>) src(%dma_wait3A_140 : memref<8192xf32, #tpu.memory_space<hbm>>) dst(%dma_wait3A_139 : memref<8192xf32, #tpu.memory_space<vmem>>)
    %add3A_141 = arith.constant 24576 : i32
    %add3A_142 = arith.addi %mul3A_19, %add3A_141 : i32
    %dma_start3A_143 = arith.constant 0 : i32
    %dma_start3A_144 = tpu.memref_slice %arg14[%dma_start3A_143] : memref<8192xf32, #tpu.memory_space<vmem>> -> memref<8192xf32, #tpu.memory_space<vmem>>
    %dma_start3A_145 = tpu.memref_slice %arg6[%add3A_142] : memref<1000000xf32, #tpu.memory_space<vmem_shared>> -> memref<8192xf32, #tpu.memory_space<vmem_shared>>
    %dma_start3A_146 = tpu.memref_slice %arg6[%add3A_142] : memref<1000000xf32, #tpu.memory_space<vmem_shared>> -> memref<8192xf32, #tpu.memory_space<vmem_shared>>
    %dma_start3A_147 = arith.constant 0 : i32
    %dma_start3A_148 = tpu.memref_slice %arg14[%dma_start3A_147] : memref<8192xf32, #tpu.memory_space<vmem>> -> memref<8192xf32, #tpu.memory_space<vmem>>
    tpu.enqueue_dma source(%dma_start3A_148 : memref<8192xf32, #tpu.memory_space<vmem>>) target(%dma_start3A_146 : memref<8192xf32, #tpu.memory_space<vmem_shared>>) target_semaphore(%arg22 : memref<!tpu.dma_semaphore, #tpu.memory_space<semaphore_mem>>)
    %dma_wait3A_149 = arith.constant 0 : i32
    %dma_wait3A_150 = tpu.memref_slice %arg14[%dma_wait3A_149] : memref<8192xf32, #tpu.memory_space<vmem>> -> memref<8192xf32, #tpu.memory_space<vmem>>
    %dma_wait3A_151 = tpu.memref_slice %arg6[%add3A_142] : memref<1000000xf32, #tpu.memory_space<vmem_shared>> -> memref<8192xf32, #tpu.memory_space<vmem_shared>>
    %dma_wait3A_152 = tpu.memref_slice %arg6[%add3A_142] : memref<1000000xf32, #tpu.memory_space<vmem_shared>> -> memref<8192xf32, #tpu.memory_space<vmem_shared>>
    %dma_wait3A_153 = arith.constant 0 : i32
    %dma_wait3A_154 = tpu.memref_slice %arg14[%dma_wait3A_153] : memref<8192xf32, #tpu.memory_space<vmem>> -> memref<8192xf32, #tpu.memory_space<vmem>>
    tpu.wait_dma2 semaphore(%arg22 : memref<!tpu.dma_semaphore, #tpu.memory_space<semaphore_mem>>) src(%dma_wait3A_154 : memref<8192xf32, #tpu.memory_space<vmem>>) dst(%dma_wait3A_152 : memref<8192xf32, #tpu.memory_space<vmem_shared>>)
    %add3A_155 = arith.constant 57344 : i32
    %add3A_156 = arith.addi %mul3A_19, %add3A_155 : i32
    %dma_start3A_157 = arith.constant 0 : i32
    %dma_start3A_158 = tpu.memref_slice %arg14[%dma_start3A_157] : memref<8192xf32, #tpu.memory_space<vmem>> -> memref<5152xf32, #tpu.memory_space<vmem>>
    %dma_start3A_159 = tpu.memref_slice %arg3[%add3A_156] : memref<1000000xf32, #tpu.memory_space<hbm>> -> memref<5152xf32, #tpu.memory_space<hbm>>
    %dma_start3A_160 = arith.constant 0 : i32
    %dma_start3A_161 = tpu.memref_slice %arg14[%dma_start3A_160] : memref<8192xf32, #tpu.memory_space<vmem>> -> memref<5152xf32, #tpu.memory_space<vmem>>
    %dma_start3A_162 = tpu.memref_slice %arg3[%add3A_156] : memref<1000000xf32, #tpu.memory_space<hbm>> -> memref<5152xf32, #tpu.memory_space<hbm>>
    tpu.enqueue_dma source(%dma_start3A_162 : memref<5152xf32, #tpu.memory_space<hbm>>) target(%dma_start3A_161 : memref<5152xf32, #tpu.memory_space<vmem>>) target_semaphore(%arg26 : memref<!tpu.dma_semaphore, #tpu.memory_space<semaphore_mem>>)
    %dma_wait3A_163 = arith.constant 0 : i32
    %dma_wait3A_164 = tpu.memref_slice %arg9[%dma_wait3A_163] : memref<8192xf32, #tpu.memory_space<vmem>> -> memref<8192xf32, #tpu.memory_space<vmem>>
    %dma_wait3A_165 = tpu.memref_slice %arg3[%add3A_72] : memref<1000000xf32, #tpu.memory_space<hbm>> -> memref<8192xf32, #tpu.memory_space<hbm>>
    %dma_wait3A_166 = arith.constant 0 : i32
    %dma_wait3A_167 = tpu.memref_slice %arg9[%dma_wait3A_166] : memref<8192xf32, #tpu.memory_space<vmem>> -> memref<8192xf32, #tpu.memory_space<vmem>>
    %dma_wait3A_168 = tpu.memref_slice %arg3[%add3A_72] : memref<1000000xf32, #tpu.memory_space<hbm>> -> memref<8192xf32, #tpu.memory_space<hbm>>
    tpu.wait_dma2 semaphore(%arg23 : memref<!tpu.dma_semaphore, #tpu.memory_space<semaphore_mem>>) src(%dma_wait3A_168 : memref<8192xf32, #tpu.memory_space<hbm>>) dst(%dma_wait3A_167 : memref<8192xf32, #tpu.memory_space<vmem>>)
    %add3A_169 = arith.constant 32768 : i32
    %add3A_170 = arith.addi %mul3A_19, %add3A_169 : i32
    %dma_start3A_171 = arith.constant 0 : i32
    %dma_start3A_172 = tpu.memref_slice %arg9[%dma_start3A_171] : memref<8192xf32, #tpu.memory_space<vmem>> -> memref<8192xf32, #tpu.memory_space<vmem>>
    %dma_start3A_173 = tpu.memref_slice %arg6[%add3A_170] : memref<1000000xf32, #tpu.memory_space<vmem_shared>> -> memref<8192xf32, #tpu.memory_space<vmem_shared>>
    %dma_start3A_174 = tpu.memref_slice %arg6[%add3A_170] : memref<1000000xf32, #tpu.memory_space<vmem_shared>> -> memref<8192xf32, #tpu.memory_space<vmem_shared>>
    %dma_start3A_175 = arith.constant 0 : i32
    %dma_start3A_176 = tpu.memref_slice %arg9[%dma_start3A_175] : memref<8192xf32, #tpu.memory_space<vmem>> -> memref<8192xf32, #tpu.memory_space<vmem>>
    tpu.enqueue_dma source(%dma_start3A_176 : memref<8192xf32, #tpu.memory_space<vmem>>) target(%dma_start3A_174 : memref<8192xf32, #tpu.memory_space<vmem_shared>>) target_semaphore(%arg17 : memref<!tpu.dma_semaphore, #tpu.memory_space<semaphore_mem>>)
    %dma_wait3A_177 = arith.constant 0 : i32
    %dma_wait3A_178 = tpu.memref_slice %arg10[%dma_wait3A_177] : memref<8192xf32, #tpu.memory_space<vmem>> -> memref<8192xf32, #tpu.memory_space<vmem>>
    %dma_wait3A_179 = tpu.memref_slice %arg3[%add3A_100] : memref<1000000xf32, #tpu.memory_space<hbm>> -> memref<8192xf32, #tpu.memory_space<hbm>>
    %dma_wait3A_180 = arith.constant 0 : i32
    %dma_wait3A_181 = tpu.memref_slice %arg10[%dma_wait3A_180] : memref<8192xf32, #tpu.memory_space<vmem>> -> memref<8192xf32, #tpu.memory_space<vmem>>
    %dma_wait3A_182 = tpu.memref_slice %arg3[%add3A_100] : memref<1000000xf32, #tpu.memory_space<hbm>> -> memref<8192xf32, #tpu.memory_space<hbm>>
    tpu.wait_dma2 semaphore(%arg24 : memref<!tpu.dma_semaphore, #tpu.memory_space<semaphore_mem>>) src(%dma_wait3A_182 : memref<8192xf32, #tpu.memory_space<hbm>>) dst(%dma_wait3A_181 : memref<8192xf32, #tpu.memory_space<vmem>>)
    %add3A_183 = arith.constant 40960 : i32
    %add3A_184 = arith.addi %mul3A_19, %add3A_183 : i32
    %dma_start3A_185 = arith.constant 0 : i32
    %dma_start3A_186 = tpu.memref_slice %arg10[%dma_start3A_185] : memref<8192xf32, #tpu.memory_space<vmem>> -> memref<8192xf32, #tpu.memory_space<vmem>>
    %dma_start3A_187 = tpu.memref_slice %arg6[%add3A_184] : memref<1000000xf32, #tpu.memory_space<vmem_shared>> -> memref<8192xf32, #tpu.memory_space<vmem_shared>>
    %dma_start3A_188 = tpu.memref_slice %arg6[%add3A_184] : memref<1000000xf32, #tpu.memory_space<vmem_shared>> -> memref<8192xf32, #tpu.memory_space<vmem_shared>>
    %dma_start3A_189 = arith.constant 0 : i32
    %dma_start3A_190 = tpu.memref_slice %arg10[%dma_start3A_189] : memref<8192xf32, #tpu.memory_space<vmem>> -> memref<8192xf32, #tpu.memory_space<vmem>>
    tpu.enqueue_dma source(%dma_start3A_190 : memref<8192xf32, #tpu.memory_space<vmem>>) target(%dma_start3A_188 : memref<8192xf32, #tpu.memory_space<vmem_shared>>) target_semaphore(%arg18 : memref<!tpu.dma_semaphore, #tpu.memory_space<semaphore_mem>>)
    %dma_wait3A_191 = arith.constant 0 : i32
    %dma_wait3A_192 = tpu.memref_slice %arg13[%dma_wait3A_191] : memref<8192xf32, #tpu.memory_space<vmem>> -> memref<8192xf32, #tpu.memory_space<vmem>>
    %dma_wait3A_193 = tpu.memref_slice %arg3[%add3A_128] : memref<1000000xf32, #tpu.memory_space<hbm>> -> memref<8192xf32, #tpu.memory_space<hbm>>
    %dma_wait3A_194 = arith.constant 0 : i32
    %dma_wait3A_195 = tpu.memref_slice %arg13[%dma_wait3A_194] : memref<8192xf32, #tpu.memory_space<vmem>> -> memref<8192xf32, #tpu.memory_space<vmem>>
    %dma_wait3A_196 = tpu.memref_slice %arg3[%add3A_128] : memref<1000000xf32, #tpu.memory_space<hbm>> -> memref<8192xf32, #tpu.memory_space<hbm>>
    tpu.wait_dma2 semaphore(%arg25 : memref<!tpu.dma_semaphore, #tpu.memory_space<semaphore_mem>>) src(%dma_wait3A_196 : memref<8192xf32, #tpu.memory_space<hbm>>) dst(%dma_wait3A_195 : memref<8192xf32, #tpu.memory_space<vmem>>)
    %add3A_197 = arith.constant 49152 : i32
    %add3A_198 = arith.addi %mul3A_19, %add3A_197 : i32
    %dma_start3A_199 = arith.constant 0 : i32
    %dma_start3A_200 = tpu.memref_slice %arg13[%dma_start3A_199] : memref<8192xf32, #tpu.memory_space<vmem>> -> memref<8192xf32, #tpu.memory_space<vmem>>
    %dma_start3A_201 = tpu.memref_slice %arg6[%add3A_198] : memref<1000000xf32, #tpu.memory_space<vmem_shared>> -> memref<8192xf32, #tpu.memory_space<vmem_shared>>
    %dma_start3A_202 = tpu.memref_slice %arg6[%add3A_198] : memref<1000000xf32, #tpu.memory_space<vmem_shared>> -> memref<8192xf32, #tpu.memory_space<vmem_shared>>
    %dma_start3A_203 = arith.constant 0 : i32
    %dma_start3A_204 = tpu.memref_slice %arg13[%dma_start3A_203] : memref<8192xf32, #tpu.memory_space<vmem>> -> memref<8192xf32, #tpu.memory_space<vmem>>
    tpu.enqueue_dma source(%dma_start3A_204 : memref<8192xf32, #tpu.memory_space<vmem>>) target(%dma_start3A_202 : memref<8192xf32, #tpu.memory_space<vmem_shared>>) target_semaphore(%arg21 : memref<!tpu.dma_semaphore, #tpu.memory_space<semaphore_mem>>)
    %dma_wait3A_205 = arith.constant 0 : i32
    %dma_wait3A_206 = tpu.memref_slice %arg14[%dma_wait3A_205] : memref<8192xf32, #tpu.memory_space<vmem>> -> memref<5152xf32, #tpu.memory_space<vmem>>
    %dma_wait3A_207 = tpu.memref_slice %arg3[%add3A_156] : memref<1000000xf32, #tpu.memory_space<hbm>> -> memref<5152xf32, #tpu.memory_space<hbm>>
    %dma_wait3A_208 = arith.constant 0 : i32
    %dma_wait3A_209 = tpu.memref_slice %arg14[%dma_wait3A_208] : memref<8192xf32, #tpu.memory_space<vmem>> -> memref<5152xf32, #tpu.memory_space<vmem>>
    %dma_wait3A_210 = tpu.memref_slice %arg3[%add3A_156] : memref<1000000xf32, #tpu.memory_space<hbm>> -> memref<5152xf32, #tpu.memory_space<hbm>>
    tpu.wait_dma2 semaphore(%arg26 : memref<!tpu.dma_semaphore, #tpu.memory_space<semaphore_mem>>) src(%dma_wait3A_210 : memref<5152xf32, #tpu.memory_space<hbm>>) dst(%dma_wait3A_209 : memref<5152xf32, #tpu.memory_space<vmem>>)
    %add3A_211 = arith.constant 57344 : i32
    %add3A_212 = arith.addi %mul3A_19, %add3A_211 : i32
    %dma_start3A_213 = arith.constant 0 : i32
    %dma_start3A_214 = tpu.memref_slice %arg14[%dma_start3A_213] : memref<8192xf32, #tpu.memory_space<vmem>> -> memref<5152xf32, #tpu.memory_space<vmem>>
    %dma_start3A_215 = tpu.memref_slice %arg6[%add3A_212] : memref<1000000xf32, #tpu.memory_space<vmem_shared>> -> memref<5152xf32, #tpu.memory_space<vmem_shared>>
    %dma_start3A_216 = tpu.memref_slice %arg6[%add3A_212] : memref<1000000xf32, #tpu.memory_space<vmem_shared>> -> memref<5152xf32, #tpu.memory_space<vmem_shared>>
    %dma_start3A_217 = arith.constant 0 : i32
    %dma_start3A_218 = tpu.memref_slice %arg14[%dma_start3A_217] : memref<8192xf32, #tpu.memory_space<vmem>> -> memref<5152xf32, #tpu.memory_space<vmem>>
    tpu.enqueue_dma source(%dma_start3A_218 : memref<5152xf32, #tpu.memory_space<vmem>>) target(%dma_start3A_216 : memref<5152xf32, #tpu.memory_space<vmem_shared>>) target_semaphore(%arg22 : memref<!tpu.dma_semaphore, #tpu.memory_space<semaphore_mem>>)
    %dma_wait3A_219 = arith.constant 0 : i32
    %dma_wait3A_220 = tpu.memref_slice %arg9[%dma_wait3A_219] : memref<8192xf32, #tpu.memory_space<vmem>> -> memref<8192xf32, #tpu.memory_space<vmem>>
    %dma_wait3A_221 = tpu.memref_slice %arg6[%add3A_170] : memref<1000000xf32, #tpu.memory_space<vmem_shared>> -> memref<8192xf32, #tpu.memory_space<vmem_shared>>
    %dma_wait3A_222 = tpu.memref_slice %arg6[%add3A_170] : memref<1000000xf32, #tpu.memory_space<vmem_shared>> -> memref<8192xf32, #tpu.memory_space<vmem_shared>>
    %dma_wait3A_223 = arith.constant 0 : i32
    %dma_wait3A_224 = tpu.memref_slice %arg9[%dma_wait3A_223] : memref<8192xf32, #tpu.memory_space<vmem>> -> memref<8192xf32, #tpu.memory_space<vmem>>
    tpu.wait_dma2 semaphore(%arg17 : memref<!tpu.dma_semaphore, #tpu.memory_space<semaphore_mem>>) src(%dma_wait3A_224 : memref<8192xf32, #tpu.memory_space<vmem>>) dst(%dma_wait3A_222 : memref<8192xf32, #tpu.memory_space<vmem_shared>>)
    %dma_wait3A_225 = arith.constant 0 : i32
    %dma_wait3A_226 = tpu.memref_slice %arg10[%dma_wait3A_225] : memref<8192xf32, #tpu.memory_space<vmem>> -> memref<8192xf32, #tpu.memory_space<vmem>>
    %dma_wait3A_227 = tpu.memref_slice %arg6[%add3A_184] : memref<1000000xf32, #tpu.memory_space<vmem_shared>> -> memref<8192xf32, #tpu.memory_space<vmem_shared>>
    %dma_wait3A_228 = tpu.memref_slice %arg6[%add3A_184] : memref<1000000xf32, #tpu.memory_space<vmem_shared>> -> memref<8192xf32, #tpu.memory_space<vmem_shared>>
    %dma_wait3A_229 = arith.constant 0 : i32
    %dma_wait3A_230 = tpu.memref_slice %arg10[%dma_wait3A_229] : memref<8192xf32, #tpu.memory_space<vmem>> -> memref<8192xf32, #tpu.memory_space<vmem>>
    tpu.wait_dma2 semaphore(%arg18 : memref<!tpu.dma_semaphore, #tpu.memory_space<semaphore_mem>>) src(%dma_wait3A_230 : memref<8192xf32, #tpu.memory_space<vmem>>) dst(%dma_wait3A_228 : memref<8192xf32, #tpu.memory_space<vmem_shared>>)
    %dma_wait3A_231 = arith.constant 0 : i32
    %dma_wait3A_232 = tpu.memref_slice %arg13[%dma_wait3A_231] : memref<8192xf32, #tpu.memory_space<vmem>> -> memref<8192xf32, #tpu.memory_space<vmem>>
    %dma_wait3A_233 = tpu.memref_slice %arg6[%add3A_198] : memref<1000000xf32, #tpu.memory_space<vmem_shared>> -> memref<8192xf32, #tpu.memory_space<vmem_shared>>
    %dma_wait3A_234 = tpu.memref_slice %arg6[%add3A_198] : memref<1000000xf32, #tpu.memory_space<vmem_shared>> -> memref<8192xf32, #tpu.memory_space<vmem_shared>>
    %dma_wait3A_235 = arith.constant 0 : i32
    %dma_wait3A_236 = tpu.memref_slice %arg13[%dma_wait3A_235] : memref<8192xf32, #tpu.memory_space<vmem>> -> memref<8192xf32, #tpu.memory_space<vmem>>
    tpu.wait_dma2 semaphore(%arg21 : memref<!tpu.dma_semaphore, #tpu.memory_space<semaphore_mem>>) src(%dma_wait3A_236 : memref<8192xf32, #tpu.memory_space<vmem>>) dst(%dma_wait3A_234 : memref<8192xf32, #tpu.memory_space<vmem_shared>>)
    %dma_wait3A_237 = arith.constant 0 : i32
    %dma_wait3A_238 = tpu.memref_slice %arg14[%dma_wait3A_237] : memref<8192xf32, #tpu.memory_space<vmem>> -> memref<5152xf32, #tpu.memory_space<vmem>>
    %dma_wait3A_239 = tpu.memref_slice %arg6[%add3A_212] : memref<1000000xf32, #tpu.memory_space<vmem_shared>> -> memref<5152xf32, #tpu.memory_space<vmem_shared>>
    %dma_wait3A_240 = tpu.memref_slice %arg6[%add3A_212] : memref<1000000xf32, #tpu.memory_space<vmem_shared>> -> memref<5152xf32, #tpu.memory_space<vmem_shared>>
    %dma_wait3A_241 = arith.constant 0 : i32
    %dma_wait3A_242 = tpu.memref_slice %arg14[%dma_wait3A_241] : memref<8192xf32, #tpu.memory_space<vmem>> -> memref<5152xf32, #tpu.memory_space<vmem>>
    tpu.wait_dma2 semaphore(%arg22 : memref<!tpu.dma_semaphore, #tpu.memory_space<semaphore_mem>>) src(%dma_wait3A_242 : memref<5152xf32, #tpu.memory_space<vmem>>) dst(%dma_wait3A_240 : memref<5152xf32, #tpu.memory_space<vmem_shared>>)
    %eq3A = arith.constant 15 : i32
    %eq3A_243 = arith.cmpi eq, %arg1, %eq3A : i32
    %convert_element_type3A = arith.extui %eq3A_243 : i1 to i32
    %cond3A = arith.constant 0 : i32
    %cond3A_244 = arith.cmpi ne, %convert_element_type3A, %cond3A : i32
    scf.if %cond3A_244 {
      "tpu.region"() ({
        %run_scoped3A = tpu.sem_alloc : memref<!tpu.dma_semaphore, #tpu.memory_space<semaphore_mem>>
        %dma_start3A_428 = arith.constant 0 : i32
        %dma_start3A_429 = tpu.memref_slice %arg9[%dma_start3A_428] : memref<8192xf32, #tpu.memory_space<vmem>> -> memref<64xf32, #tpu.memory_space<vmem>>
        %dma_start3A_430 = arith.constant 999936 : i32
        %dma_start3A_431 = tpu.memref_slice %arg3[%dma_start3A_430] : memref<1000000xf32, #tpu.memory_space<hbm>> -> memref<64xf32, #tpu.memory_space<hbm>>
        %dma_start3A_432 = arith.constant 0 : i32
        %dma_start3A_433 = tpu.memref_slice %arg9[%dma_start3A_432] : memref<8192xf32, #tpu.memory_space<vmem>> -> memref<64xf32, #tpu.memory_space<vmem>>
        %dma_start3A_434 = arith.constant 999936 : i32
        %dma_start3A_435 = tpu.memref_slice %arg3[%dma_start3A_434] : memref<1000000xf32, #tpu.memory_space<hbm>> -> memref<64xf32, #tpu.memory_space<hbm>>
        tpu.enqueue_dma source(%dma_start3A_435 : memref<64xf32, #tpu.memory_space<hbm>>) target(%dma_start3A_433 : memref<64xf32, #tpu.memory_space<vmem>>) target_semaphore(%run_scoped3A : memref<!tpu.dma_semaphore, #tpu.memory_space<semaphore_mem>>)
        %dma_wait3A_436 = arith.constant 0 : i32
        %dma_wait3A_437 = tpu.memref_slice %arg9[%dma_wait3A_436] : memref<8192xf32, #tpu.memory_space<vmem>> -> memref<64xf32, #tpu.memory_space<vmem>>
        %dma_wait3A_438 = arith.constant 999936 : i32
        %dma_wait3A_439 = tpu.memref_slice %arg3[%dma_wait3A_438] : memref<1000000xf32, #tpu.memory_space<hbm>> -> memref<64xf32, #tpu.memory_space<hbm>>
        %dma_wait3A_440 = arith.constant 0 : i32
        %dma_wait3A_441 = tpu.memref_slice %arg9[%dma_wait3A_440] : memref<8192xf32, #tpu.memory_space<vmem>> -> memref<64xf32, #tpu.memory_space<vmem>>
        %dma_wait3A_442 = arith.constant 999936 : i32
        %dma_wait3A_443 = tpu.memref_slice %arg3[%dma_wait3A_442] : memref<1000000xf32, #tpu.memory_space<hbm>> -> memref<64xf32, #tpu.memory_space<hbm>>
        tpu.wait_dma2 semaphore(%run_scoped3A : memref<!tpu.dma_semaphore, #tpu.memory_space<semaphore_mem>>) src(%dma_wait3A_443 : memref<64xf32, #tpu.memory_space<hbm>>) dst(%dma_wait3A_441 : memref<64xf32, #tpu.memory_space<vmem>>)
        tpu.yield
      }) : () -> ()
      "tpu.region"() ({
        %run_scoped3A = tpu.sem_alloc : memref<!tpu.dma_semaphore, #tpu.memory_space<semaphore_mem>>
        %dma_start3A_428 = arith.constant 0 : i32
        %dma_start3A_429 = tpu.memref_slice %arg9[%dma_start3A_428] : memref<8192xf32, #tpu.memory_space<vmem>> -> memref<64xf32, #tpu.memory_space<vmem>>
        %dma_start3A_430 = arith.constant 999936 : i32
        %dma_start3A_431 = tpu.memref_slice %arg6[%dma_start3A_430] : memref<1000000xf32, #tpu.memory_space<vmem_shared>> -> memref<64xf32, #tpu.memory_space<vmem_shared>>
        %dma_start3A_432 = arith.constant 999936 : i32
        %dma_start3A_433 = tpu.memref_slice %arg6[%dma_start3A_432] : memref<1000000xf32, #tpu.memory_space<vmem_shared>> -> memref<64xf32, #tpu.memory_space<vmem_shared>>
        %dma_start3A_434 = arith.constant 0 : i32
        %dma_start3A_435 = tpu.memref_slice %arg9[%dma_start3A_434] : memref<8192xf32, #tpu.memory_space<vmem>> -> memref<64xf32, #tpu.memory_space<vmem>>
        tpu.enqueue_dma source(%dma_start3A_435 : memref<64xf32, #tpu.memory_space<vmem>>) target(%dma_start3A_433 : memref<64xf32, #tpu.memory_space<vmem_shared>>) target_semaphore(%run_scoped3A : memref<!tpu.dma_semaphore, #tpu.memory_space<semaphore_mem>>)
        %dma_wait3A_436 = arith.constant 0 : i32
        %dma_wait3A_437 = tpu.memref_slice %arg9[%dma_wait3A_436] : memref<8192xf32, #tpu.memory_space<vmem>> -> memref<64xf32, #tpu.memory_space<vmem>>
        %dma_wait3A_438 = arith.constant 999936 : i32
        %dma_wait3A_439 = tpu.memref_slice %arg6[%dma_wait3A_438] : memref<1000000xf32, #tpu.memory_space<vmem_shared>> -> memref<64xf32, #tpu.memory_space<vmem_shared>>
        %dma_wait3A_440 = arith.constant 999936 : i32
        %dma_wait3A_441 = tpu.memref_slice %arg6[%dma_wait3A_440] : memref<1000000xf32, #tpu.memory_space<vmem_shared>> -> memref<64xf32, #tpu.memory_space<vmem_shared>>
        %dma_wait3A_442 = arith.constant 0 : i32
        %dma_wait3A_443 = tpu.memref_slice %arg9[%dma_wait3A_442] : memref<8192xf32, #tpu.memory_space<vmem>> -> memref<64xf32, #tpu.memory_space<vmem>>
        tpu.wait_dma2 semaphore(%run_scoped3A : memref<!tpu.dma_semaphore, #tpu.memory_space<semaphore_mem>>) src(%dma_wait3A_443 : memref<64xf32, #tpu.memory_space<vmem>>) dst(%dma_wait3A_441 : memref<64xf32, #tpu.memory_space<vmem_shared>>)
        tpu.yield
      }) : () -> ()
    } else {
    }
    %barrier3A = arith.constant 0 : index
    tpu.barrier barrier_id(%barrier3A)
    %dma_wait3A_245 = tpu.memref_slice %arg4[%add3A_4] : memref<2097152xi32, #tpu.memory_space<hbm>> -> memref<8192xi32, #tpu.memory_space<hbm>>
    %dma_wait3A_246 = tpu.memref_slice %arg4[%add3A_4] : memref<2097152xi32, #tpu.memory_space<hbm>> -> memref<8192xi32, #tpu.memory_space<hbm>>
    tpu.wait_dma2 semaphore(%arg15 : memref<!tpu.dma_semaphore, #tpu.memory_space<semaphore_mem>>) src(%dma_wait3A_246 : memref<8192xi32, #tpu.memory_space<hbm>>) dst(%arg7 : memref<8192xi32, #tpu.memory_space<vmem>>)
    %dma_start3A_247 = arith.constant 0 : i32
    %dma_start3A_248 = tpu.memref_slice %arg6[%dma_start3A_247] : memref<1000000xf32, #tpu.memory_space<vmem_shared>> -> memref<1000000xf32, #tpu.memory_space<vmem_shared>>
    tpu.enqueue_indirect_dma source(%dma_start3A_248 : memref<1000000xf32, #tpu.memory_space<vmem_shared>>) target(%arg9 : memref<8192xf32, #tpu.memory_space<vmem>>) offsets(%arg7 : memref<8192xi32, #tpu.memory_space<vmem>>) semaphore(%arg17 : memref<!tpu.dma_semaphore, #tpu.memory_space<semaphore_mem>>)
    %dma_wait3A_249 = tpu.memref_slice %arg4[%add3A_7] : memref<2097152xi32, #tpu.memory_space<hbm>> -> memref<8192xi32, #tpu.memory_space<hbm>>
    %dma_wait3A_250 = tpu.memref_slice %arg4[%add3A_7] : memref<2097152xi32, #tpu.memory_space<hbm>> -> memref<8192xi32, #tpu.memory_space<hbm>>
    tpu.wait_dma2 semaphore(%arg16 : memref<!tpu.dma_semaphore, #tpu.memory_space<semaphore_mem>>) src(%dma_wait3A_250 : memref<8192xi32, #tpu.memory_space<hbm>>) dst(%arg8 : memref<8192xi32, #tpu.memory_space<vmem>>)
    %dma_start3A_251 = arith.constant 0 : i32
    %dma_start3A_252 = tpu.memref_slice %arg6[%dma_start3A_251] : memref<1000000xf32, #tpu.memory_space<vmem_shared>> -> memref<1000000xf32, #tpu.memory_space<vmem_shared>>
    tpu.enqueue_indirect_dma source(%dma_start3A_252 : memref<1000000xf32, #tpu.memory_space<vmem_shared>>) target(%arg10 : memref<8192xf32, #tpu.memory_space<vmem>>) offsets(%arg8 : memref<8192xi32, #tpu.memory_space<vmem>>) semaphore(%arg18 : memref<!tpu.dma_semaphore, #tpu.memory_space<semaphore_mem>>)
    %dma_wait3A_253 = arith.constant 0 : i32
    %dma_wait3A_254 = tpu.memref_slice %arg6[%dma_wait3A_253] : memref<1000000xf32, #tpu.memory_space<vmem_shared>> -> memref<1000000xf32, #tpu.memory_space<vmem_shared>>
    tpu.wait_indirect_dma semaphore(%arg17 : memref<!tpu.dma_semaphore, #tpu.memory_space<semaphore_mem>>) src(%dma_wait3A_254 : memref<1000000xf32, #tpu.memory_space<vmem_shared>>) dst(%arg9 : memref<8192xf32, #tpu.memory_space<vmem>>)
    %dma_wait3A_255 = tpu.memref_slice %arg2[%add3A_11] : memref<2097152xf32, #tpu.memory_space<hbm>> -> memref<8192xf32, #tpu.memory_space<hbm>>
    %dma_wait3A_256 = tpu.memref_slice %arg2[%add3A_11] : memref<2097152xf32, #tpu.memory_space<hbm>> -> memref<8192xf32, #tpu.memory_space<hbm>>
    tpu.wait_dma2 semaphore(%arg19 : memref<!tpu.dma_semaphore, #tpu.memory_space<semaphore_mem>>) src(%dma_wait3A_256 : memref<8192xf32, #tpu.memory_space<hbm>>) dst(%arg11 : memref<8192xf32, #tpu.memory_space<vmem>>)
    %parallel_loop3A = arith.constant 0 : i32
    %parallel_loop3A_257 = arith.constant 8192 : i32
    %parallel_loop3A_258 = arith.constant 16 : i32
    scf.for %parallel_loop3A_428 = %parallel_loop3A to %parallel_loop3A_257 step %parallel_loop3A_258  : i32 {
      %parallel_loop3A_429 = arith.index_cast %parallel_loop3A_428 : i32 to index
      %parallel_loop3A_430 = tpu.vector_load %arg11[%parallel_loop3A_429] {strides = array<i32>} : memref<8192xf32, #tpu.memory_space<vmem>>, vector<16xf32>,
      %parallel_loop3A_431 = vector.shape_cast %parallel_loop3A_430 : vector<16xf32> to vector<16xf32>
      %parallel_loop3A_432 = arith.index_cast %parallel_loop3A_428 : i32 to index
      %parallel_loop3A_433 = tpu.vector_load %arg9[%parallel_loop3A_432] {strides = array<i32>} : memref<8192xf32, #tpu.memory_space<vmem>>, vector<16xf32>,
      %parallel_loop3A_434 = vector.shape_cast %parallel_loop3A_433 : vector<16xf32> to vector<16xf32>
      %parallel_loop3A_435 = arith.cmpf ogt, %parallel_loop3A_431, %parallel_loop3A_434 : vector<16xf32>
      %parallel_loop3A_436 = arith.constant 1.000000e+00 : f32
      %parallel_loop3A_437 = arith.constant 0.000000e+00 : f32
      %parallel_loop3A_438 = vector.broadcast %parallel_loop3A_436 : f32 to vector<16xf32>
      %parallel_loop3A_439 = vector.broadcast %parallel_loop3A_437 : f32 to vector<16xf32>
      %parallel_loop3A_440 = arith.select %parallel_loop3A_435, %parallel_loop3A_438, %parallel_loop3A_439 : vector<16xi1>, vector<16xf32>
      %parallel_loop3A_441 = arith.index_cast %parallel_loop3A_428 : i32 to index
      %parallel_loop3A_442 = tpu.vector_load %arg13[%parallel_loop3A_441] {strides = array<i32>} : memref<8192xf32, #tpu.memory_space<vmem>>, vector<16xf32>,
      %parallel_loop3A_443 = vector.shape_cast %parallel_loop3A_442 : vector<16xf32> to vector<16xf32>
      %parallel_loop3A_444 = vector.shape_cast %parallel_loop3A_440 : vector<16xf32> to vector<16xf32>
      tpu.vector_store %arg13[%parallel_loop3A_441], %parallel_loop3A_444 {strides = array<i32>} : memref<8192xf32, #tpu.memory_space<vmem>>, vector<16xf32>,
    } {sc.loop_unroll_factor = 8 : i64, sc.parallel_access}
    %add3A_259 = arith.constant 0 : i32
    %add3A_260 = arith.addi %mul3A_2, %add3A_259 : i32
    %dma_start3A_261 = tpu.memref_slice %arg5[%add3A_260] : memref<2097152xf32, #tpu.memory_space<hbm>> -> memref<8192xf32, #tpu.memory_space<hbm>>
    %dma_start3A_262 = tpu.memref_slice %arg5[%add3A_260] : memref<2097152xf32, #tpu.memory_space<hbm>> -> memref<8192xf32, #tpu.memory_space<hbm>>
    tpu.enqueue_dma source(%arg13 : memref<8192xf32, #tpu.memory_space<vmem>>) target(%dma_start3A_262 : memref<8192xf32, #tpu.memory_space<hbm>>) target_semaphore(%arg21 : memref<!tpu.dma_semaphore, #tpu.memory_space<semaphore_mem>>)
    %add3A_263 = arith.constant 16384 : i32
    %add3A_264 = arith.addi %mul3A_2, %add3A_263 : i32
    %dma_start3A_265 = tpu.memref_slice %arg4[%add3A_264] : memref<2097152xi32, #tpu.memory_space<hbm>> -> memref<8192xi32, #tpu.memory_space<hbm>>
    %dma_start3A_266 = tpu.memref_slice %arg4[%add3A_264] : memref<2097152xi32, #tpu.memory_space<hbm>> -> memref<8192xi32, #tpu.memory_space<hbm>>
    tpu.enqueue_dma source(%dma_start3A_266 : memref<8192xi32, #tpu.memory_space<hbm>>) target(%arg7 : memref<8192xi32, #tpu.memory_space<vmem>>) target_semaphore(%arg15 : memref<!tpu.dma_semaphore, #tpu.memory_space<semaphore_mem>>)
    %add3A_267 = arith.constant 16384 : i32
    %add3A_268 = arith.addi %mul3A_2, %add3A_267 : i32
    %dma_start3A_269 = tpu.memref_slice %arg2[%add3A_268] : memref<2097152xf32, #tpu.memory_space<hbm>> -> memref<8192xf32, #tpu.memory_space<hbm>>
    %dma_start3A_270 = tpu.memref_slice %arg2[%add3A_268] : memref<2097152xf32, #tpu.memory_space<hbm>> -> memref<8192xf32, #tpu.memory_space<hbm>>
    tpu.enqueue_dma source(%dma_start3A_270 : memref<8192xf32, #tpu.memory_space<hbm>>) target(%arg11 : memref<8192xf32, #tpu.memory_space<vmem>>) target_semaphore(%arg19 : memref<!tpu.dma_semaphore, #tpu.memory_space<semaphore_mem>>)
    %dma_wait3A_271 = tpu.memref_slice %arg4[%add3A_264] : memref<2097152xi32, #tpu.memory_space<hbm>> -> memref<8192xi32, #tpu.memory_space<hbm>>
    %dma_wait3A_272 = tpu.memref_slice %arg4[%add3A_264] : memref<2097152xi32, #tpu.memory_space<hbm>> -> memref<8192xi32, #tpu.memory_space<hbm>>
    tpu.wait_dma2 semaphore(%arg15 : memref<!tpu.dma_semaphore, #tpu.memory_space<semaphore_mem>>) src(%dma_wait3A_272 : memref<8192xi32, #tpu.memory_space<hbm>>) dst(%arg7 : memref<8192xi32, #tpu.memory_space<vmem>>)
    %dma_start3A_273 = arith.constant 0 : i32
    %dma_start3A_274 = tpu.memref_slice %arg6[%dma_start3A_273] : memref<1000000xf32, #tpu.memory_space<vmem_shared>> -> memref<1000000xf32, #tpu.memory_space<vmem_shared>>
    tpu.enqueue_indirect_dma source(%dma_start3A_274 : memref<1000000xf32, #tpu.memory_space<vmem_shared>>) target(%arg9 : memref<8192xf32, #tpu.memory_space<vmem>>) offsets(%arg7 : memref<8192xi32, #tpu.memory_space<vmem>>) semaphore(%arg17 : memref<!tpu.dma_semaphore, #tpu.memory_space<semaphore_mem>>)
    %dma_wait3A_275 = arith.constant 0 : i32
    %dma_wait3A_276 = tpu.memref_slice %arg6[%dma_wait3A_275] : memref<1000000xf32, #tpu.memory_space<vmem_shared>> -> memref<1000000xf32, #tpu.memory_space<vmem_shared>>
    tpu.wait_indirect_dma semaphore(%arg18 : memref<!tpu.dma_semaphore, #tpu.memory_space<semaphore_mem>>) src(%dma_wait3A_276 : memref<1000000xf32, #tpu.memory_space<vmem_shared>>) dst(%arg10 : memref<8192xf32, #tpu.memory_space<vmem>>)
    %dma_wait3A_277 = tpu.memref_slice %arg2[%add3A_15] : memref<2097152xf32, #tpu.memory_space<hbm>> -> memref<8192xf32, #tpu.memory_space<hbm>>
    %dma_wait3A_278 = tpu.memref_slice %arg2[%add3A_15] : memref<2097152xf32, #tpu.memory_space<hbm>> -> memref<8192xf32, #tpu.memory_space<hbm>>
    tpu.wait_dma2 semaphore(%arg20 : memref<!tpu.dma_semaphore, #tpu.memory_space<semaphore_mem>>) src(%dma_wait3A_278 : memref<8192xf32, #tpu.memory_space<hbm>>) dst(%arg12 : memref<8192xf32, #tpu.memory_space<vmem>>)
    %parallel_loop3A_279 = arith.constant 0 : i32
    %parallel_loop3A_280 = arith.constant 8192 : i32
    %parallel_loop3A_281 = arith.constant 16 : i32
    scf.for %parallel_loop3A_428 = %parallel_loop3A_279 to %parallel_loop3A_280 step %parallel_loop3A_281  : i32 {
      %parallel_loop3A_429 = arith.index_cast %parallel_loop3A_428 : i32 to index
      %parallel_loop3A_430 = tpu.vector_load %arg12[%parallel_loop3A_429] {strides = array<i32>} : memref<8192xf32, #tpu.memory_space<vmem>>, vector<16xf32>,
      %parallel_loop3A_431 = vector.shape_cast %parallel_loop3A_430 : vector<16xf32> to vector<16xf32>
      %parallel_loop3A_432 = arith.index_cast %parallel_loop3A_428 : i32 to index
      %parallel_loop3A_433 = tpu.vector_load %arg10[%parallel_loop3A_432] {strides = array<i32>} : memref<8192xf32, #tpu.memory_space<vmem>>, vector<16xf32>,
      %parallel_loop3A_434 = vector.shape_cast %parallel_loop3A_433 : vector<16xf32> to vector<16xf32>
      %parallel_loop3A_435 = arith.cmpf ogt, %parallel_loop3A_431, %parallel_loop3A_434 : vector<16xf32>
      %parallel_loop3A_436 = arith.constant 1.000000e+00 : f32
      %parallel_loop3A_437 = arith.constant 0.000000e+00 : f32
      %parallel_loop3A_438 = vector.broadcast %parallel_loop3A_436 : f32 to vector<16xf32>
      %parallel_loop3A_439 = vector.broadcast %parallel_loop3A_437 : f32 to vector<16xf32>
      %parallel_loop3A_440 = arith.select %parallel_loop3A_435, %parallel_loop3A_438, %parallel_loop3A_439 : vector<16xi1>, vector<16xf32>
      %parallel_loop3A_441 = arith.index_cast %parallel_loop3A_428 : i32 to index
      %parallel_loop3A_442 = tpu.vector_load %arg14[%parallel_loop3A_441] {strides = array<i32>} : memref<8192xf32, #tpu.memory_space<vmem>>, vector<16xf32>,
      %parallel_loop3A_443 = vector.shape_cast %parallel_loop3A_442 : vector<16xf32> to vector<16xf32>
      %parallel_loop3A_444 = vector.shape_cast %parallel_loop3A_440 : vector<16xf32> to vector<16xf32>
      tpu.vector_store %arg14[%parallel_loop3A_441], %parallel_loop3A_444 {strides = array<i32>} : memref<8192xf32, #tpu.memory_space<vmem>>, vector<16xf32>,
    } {sc.loop_unroll_factor = 8 : i64, sc.parallel_access}
    %add3A_282 = arith.constant 8192 : i32
    %add3A_283 = arith.addi %mul3A_2, %add3A_282 : i32
    %dma_start3A_284 = tpu.memref_slice %arg5[%add3A_283] : memref<2097152xf32, #tpu.memory_space<hbm>> -> memref<8192xf32, #tpu.memory_space<hbm>>
    %dma_start3A_285 = tpu.memref_slice %arg5[%add3A_283] : memref<2097152xf32, #tpu.memory_space<hbm>> -> memref<8192xf32, #tpu.memory_space<hbm>>
    tpu.enqueue_dma source(%arg14 : memref<8192xf32, #tpu.memory_space<vmem>>) target(%dma_start3A_285 : memref<8192xf32, #tpu.memory_space<hbm>>) target_semaphore(%arg22 : memref<!tpu.dma_semaphore, #tpu.memory_space<semaphore_mem>>)
    %add3A_286 = arith.constant 24576 : i32
    %add3A_287 = arith.addi %mul3A_2, %add3A_286 : i32
    %dma_start3A_288 = tpu.memref_slice %arg4[%add3A_287] : memref<2097152xi32, #tpu.memory_space<hbm>> -> memref<8192xi32, #tpu.memory_space<hbm>>
    %dma_start3A_289 = tpu.memref_slice %arg4[%add3A_287] : memref<2097152xi32, #tpu.memory_space<hbm>> -> memref<8192xi32, #tpu.memory_space<hbm>>
    tpu.enqueue_dma source(%dma_start3A_289 : memref<8192xi32, #tpu.memory_space<hbm>>) target(%arg8 : memref<8192xi32, #tpu.memory_space<vmem>>) target_semaphore(%arg16 : memref<!tpu.dma_semaphore, #tpu.memory_space<semaphore_mem>>)
    %add3A_290 = arith.constant 24576 : i32
    %add3A_291 = arith.addi %mul3A_2, %add3A_290 : i32
    %dma_start3A_292 = tpu.memref_slice %arg2[%add3A_291] : memref<2097152xf32, #tpu.memory_space<hbm>> -> memref<8192xf32, #tpu.memory_space<hbm>>
    %dma_start3A_293 = tpu.memref_slice %arg2[%add3A_291] : memref<2097152xf32, #tpu.memory_space<hbm>> -> memref<8192xf32, #tpu.memory_space<hbm>>
    tpu.enqueue_dma source(%dma_start3A_293 : memref<8192xf32, #tpu.memory_space<hbm>>) target(%arg12 : memref<8192xf32, #tpu.memory_space<vmem>>) target_semaphore(%arg20 : memref<!tpu.dma_semaphore, #tpu.memory_space<semaphore_mem>>)
    %dma_wait3A_294 = tpu.memref_slice %arg4[%add3A_287] : memref<2097152xi32, #tpu.memory_space<hbm>> -> memref<8192xi32, #tpu.memory_space<hbm>>
    %dma_wait3A_295 = tpu.memref_slice %arg4[%add3A_287] : memref<2097152xi32, #tpu.memory_space<hbm>> -> memref<8192xi32, #tpu.memory_space<hbm>>
    tpu.wait_dma2 semaphore(%arg16 : memref<!tpu.dma_semaphore, #tpu.memory_space<semaphore_mem>>) src(%dma_wait3A_295 : memref<8192xi32, #tpu.memory_space<hbm>>) dst(%arg8 : memref<8192xi32, #tpu.memory_space<vmem>>)
    %dma_start3A_296 = arith.constant 0 : i32
    %dma_start3A_297 = tpu.memref_slice %arg6[%dma_start3A_296] : memref<1000000xf32, #tpu.memory_space<vmem_shared>> -> memref<1000000xf32, #tpu.memory_space<vmem_shared>>
    tpu.enqueue_indirect_dma source(%dma_start3A_297 : memref<1000000xf32, #tpu.memory_space<vmem_shared>>) target(%arg10 : memref<8192xf32, #tpu.memory_space<vmem>>) offsets(%arg8 : memref<8192xi32, #tpu.memory_space<vmem>>) semaphore(%arg18 : memref<!tpu.dma_semaphore, #tpu.memory_space<semaphore_mem>>)
    %dma_wait3A_298 = arith.constant 0 : i32
    %dma_wait3A_299 = tpu.memref_slice %arg6[%dma_wait3A_298] : memref<1000000xf32, #tpu.memory_space<vmem_shared>> -> memref<1000000xf32, #tpu.memory_space<vmem_shared>>
    tpu.wait_indirect_dma semaphore(%arg17 : memref<!tpu.dma_semaphore, #tpu.memory_space<semaphore_mem>>) src(%dma_wait3A_299 : memref<1000000xf32, #tpu.memory_space<vmem_shared>>) dst(%arg9 : memref<8192xf32, #tpu.memory_space<vmem>>)
    %dma_wait3A_300 = tpu.memref_slice %arg2[%add3A_268] : memref<2097152xf32, #tpu.memory_space<hbm>> -> memref<8192xf32, #tpu.memory_space<hbm>>
    %dma_wait3A_301 = tpu.memref_slice %arg2[%add3A_268] : memref<2097152xf32, #tpu.memory_space<hbm>> -> memref<8192xf32, #tpu.memory_space<hbm>>
    tpu.wait_dma2 semaphore(%arg19 : memref<!tpu.dma_semaphore, #tpu.memory_space<semaphore_mem>>) src(%dma_wait3A_301 : memref<8192xf32, #tpu.memory_space<hbm>>) dst(%arg11 : memref<8192xf32, #tpu.memory_space<vmem>>)
    %dma_wait3A_302 = tpu.memref_slice %arg5[%add3A_260] : memref<2097152xf32, #tpu.memory_space<hbm>> -> memref<8192xf32, #tpu.memory_space<hbm>>
    %dma_wait3A_303 = tpu.memref_slice %arg5[%add3A_260] : memref<2097152xf32, #tpu.memory_space<hbm>> -> memref<8192xf32, #tpu.memory_space<hbm>>
    tpu.wait_dma2 semaphore(%arg21 : memref<!tpu.dma_semaphore, #tpu.memory_space<semaphore_mem>>) src(%arg13 : memref<8192xf32, #tpu.memory_space<vmem>>) dst(%dma_wait3A_303 : memref<8192xf32, #tpu.memory_space<hbm>>)
    %parallel_loop3A_304 = arith.constant 0 : i32
    %parallel_loop3A_305 = arith.constant 8192 : i32
    %parallel_loop3A_306 = arith.constant 16 : i32
    scf.for %parallel_loop3A_428 = %parallel_loop3A_304 to %parallel_loop3A_305 step %parallel_loop3A_306  : i32 {
      %parallel_loop3A_429 = arith.index_cast %parallel_loop3A_428 : i32 to index
      %parallel_loop3A_430 = tpu.vector_load %arg11[%parallel_loop3A_429] {strides = array<i32>} : memref<8192xf32, #tpu.memory_space<vmem>>, vector<16xf32>,
      %parallel_loop3A_431 = vector.shape_cast %parallel_loop3A_430 : vector<16xf32> to vector<16xf32>
      %parallel_loop3A_432 = arith.index_cast %parallel_loop3A_428 : i32 to index
      %parallel_loop3A_433 = tpu.vector_load %arg9[%parallel_loop3A_432] {strides = array<i32>} : memref<8192xf32, #tpu.memory_space<vmem>>, vector<16xf32>,
      %parallel_loop3A_434 = vector.shape_cast %parallel_loop3A_433 : vector<16xf32> to vector<16xf32>
      %parallel_loop3A_435 = arith.cmpf ogt, %parallel_loop3A_431, %parallel_loop3A_434 : vector<16xf32>
      %parallel_loop3A_436 = arith.constant 1.000000e+00 : f32
      %parallel_loop3A_437 = arith.constant 0.000000e+00 : f32
      %parallel_loop3A_438 = vector.broadcast %parallel_loop3A_436 : f32 to vector<16xf32>
      %parallel_loop3A_439 = vector.broadcast %parallel_loop3A_437 : f32 to vector<16xf32>
      %parallel_loop3A_440 = arith.select %parallel_loop3A_435, %parallel_loop3A_438, %parallel_loop3A_439 : vector<16xi1>, vector<16xf32>
      %parallel_loop3A_441 = arith.index_cast %parallel_loop3A_428 : i32 to index
      %parallel_loop3A_442 = tpu.vector_load %arg13[%parallel_loop3A_441] {strides = array<i32>} : memref<8192xf32, #tpu.memory_space<vmem>>, vector<16xf32>,
      %parallel_loop3A_443 = vector.shape_cast %parallel_loop3A_442 : vector<16xf32> to vector<16xf32>
      %parallel_loop3A_444 = vector.shape_cast %parallel_loop3A_440 : vector<16xf32> to vector<16xf32>
      tpu.vector_store %arg13[%parallel_loop3A_441], %parallel_loop3A_444 {strides = array<i32>} : memref<8192xf32, #tpu.memory_space<vmem>>, vector<16xf32>,
    } {sc.loop_unroll_factor = 8 : i64, sc.parallel_access}
    %add3A_307 = arith.constant 16384 : i32
    %add3A_308 = arith.addi %mul3A_2, %add3A_307 : i32
    %dma_start3A_309 = tpu.memref_slice %arg5[%add3A_308] : memref<2097152xf32, #tpu.memory_space<hbm>> -> memref<8192xf32, #tpu.memory_space<hbm>>
    %dma_start3A_310 = tpu.memref_slice %arg5[%add3A_308] : memref<2097152xf32, #tpu.memory_space<hbm>> -> memref<8192xf32, #tpu.memory_space<hbm>>
    tpu.enqueue_dma source(%arg13 : memref<8192xf32, #tpu.memory_space<vmem>>) target(%dma_start3A_310 : memref<8192xf32, #tpu.memory_space<hbm>>) target_semaphore(%arg21 : memref<!tpu.dma_semaphore, #tpu.memory_space<semaphore_mem>>)
    %add3A_311 = arith.constant 32768 : i32
    %add3A_312 = arith.addi %mul3A_2, %add3A_311 : i32
    %dma_start3A_313 = tpu.memref_slice %arg4[%add3A_312] : memref<2097152xi32, #tpu.memory_space<hbm>> -> memref<8192xi32, #tpu.memory_space<hbm>>
    %dma_start3A_314 = tpu.memref_slice %arg4[%add3A_312] : memref<2097152xi32, #tpu.memory_space<hbm>> -> memref<8192xi32, #tpu.memory_space<hbm>>
    tpu.enqueue_dma source(%dma_start3A_314 : memref<8192xi32, #tpu.memory_space<hbm>>) target(%arg7 : memref<8192xi32, #tpu.memory_space<vmem>>) target_semaphore(%arg15 : memref<!tpu.dma_semaphore, #tpu.memory_space<semaphore_mem>>)
    %add3A_315 = arith.constant 32768 : i32
    %add3A_316 = arith.addi %mul3A_2, %add3A_315 : i32
    %dma_start3A_317 = tpu.memref_slice %arg2[%add3A_316] : memref<2097152xf32, #tpu.memory_space<hbm>> -> memref<8192xf32, #tpu.memory_space<hbm>>
    %dma_start3A_318 = tpu.memref_slice %arg2[%add3A_316] : memref<2097152xf32, #tpu.memory_space<hbm>> -> memref<8192xf32, #tpu.memory_space<hbm>>
    tpu.enqueue_dma source(%dma_start3A_318 : memref<8192xf32, #tpu.memory_space<hbm>>) target(%arg11 : memref<8192xf32, #tpu.memory_space<vmem>>) target_semaphore(%arg19 : memref<!tpu.dma_semaphore, #tpu.memory_space<semaphore_mem>>)
    %dma_wait3A_319 = tpu.memref_slice %arg4[%add3A_312] : memref<2097152xi32, #tpu.memory_space<hbm>> -> memref<8192xi32, #tpu.memory_space<hbm>>
    %dma_wait3A_320 = tpu.memref_slice %arg4[%add3A_312] : memref<2097152xi32, #tpu.memory_space<hbm>> -> memref<8192xi32, #tpu.memory_space<hbm>>
    tpu.wait_dma2 semaphore(%arg15 : memref<!tpu.dma_semaphore, #tpu.memory_space<semaphore_mem>>) src(%dma_wait3A_320 : memref<8192xi32, #tpu.memory_space<hbm>>) dst(%arg7 : memref<8192xi32, #tpu.memory_space<vmem>>)
    %dma_start3A_321 = arith.constant 0 : i32
    %dma_start3A_322 = tpu.memref_slice %arg6[%dma_start3A_321] : memref<1000000xf32, #tpu.memory_space<vmem_shared>> -> memref<1000000xf32, #tpu.memory_space<vmem_shared>>
    tpu.enqueue_indirect_dma source(%dma_start3A_322 : memref<1000000xf32, #tpu.memory_space<vmem_shared>>) target(%arg9 : memref<8192xf32, #tpu.memory_space<vmem>>) offsets(%arg7 : memref<8192xi32, #tpu.memory_space<vmem>>) semaphore(%arg17 : memref<!tpu.dma_semaphore, #tpu.memory_space<semaphore_mem>>)
    %dma_wait3A_323 = arith.constant 0 : i32
    %dma_wait3A_324 = tpu.memref_slice %arg6[%dma_wait3A_323] : memref<1000000xf32, #tpu.memory_space<vmem_shared>> -> memref<1000000xf32, #tpu.memory_space<vmem_shared>>
    tpu.wait_indirect_dma semaphore(%arg18 : memref<!tpu.dma_semaphore, #tpu.memory_space<semaphore_mem>>) src(%dma_wait3A_324 : memref<1000000xf32, #tpu.memory_space<vmem_shared>>) dst(%arg10 : memref<8192xf32, #tpu.memory_space<vmem>>)
    %dma_wait3A_325 = tpu.memref_slice %arg2[%add3A_291] : memref<2097152xf32, #tpu.memory_space<hbm>> -> memref<8192xf32, #tpu.memory_space<hbm>>
    %dma_wait3A_326 = tpu.memref_slice %arg2[%add3A_291] : memref<2097152xf32, #tpu.memory_space<hbm>> -> memref<8192xf32, #tpu.memory_space<hbm>>
    tpu.wait_dma2 semaphore(%arg20 : memref<!tpu.dma_semaphore, #tpu.memory_space<semaphore_mem>>) src(%dma_wait3A_326 : memref<8192xf32, #tpu.memory_space<hbm>>) dst(%arg12 : memref<8192xf32, #tpu.memory_space<vmem>>)
    %dma_wait3A_327 = tpu.memref_slice %arg5[%add3A_283] : memref<2097152xf32, #tpu.memory_space<hbm>> -> memref<8192xf32, #tpu.memory_space<hbm>>
    %dma_wait3A_328 = tpu.memref_slice %arg5[%add3A_283] : memref<2097152xf32, #tpu.memory_space<hbm>> -> memref<8192xf32, #tpu.memory_space<hbm>>
    tpu.wait_dma2 semaphore(%arg22 : memref<!tpu.dma_semaphore, #tpu.memory_space<semaphore_mem>>) src(%arg14 : memref<8192xf32, #tpu.memory_space<vmem>>) dst(%dma_wait3A_328 : memref<8192xf32, #tpu.memory_space<hbm>>)
    %parallel_loop3A_329 = arith.constant 0 : i32
    %parallel_loop3A_330 = arith.constant 8192 : i32
    %parallel_loop3A_331 = arith.constant 16 : i32
    scf.for %parallel_loop3A_428 = %parallel_loop3A_329 to %parallel_loop3A_330 step %parallel_loop3A_331  : i32 {
      %parallel_loop3A_429 = arith.index_cast %parallel_loop3A_428 : i32 to index
      %parallel_loop3A_430 = tpu.vector_load %arg12[%parallel_loop3A_429] {strides = array<i32>} : memref<8192xf32, #tpu.memory_space<vmem>>, vector<16xf32>,
      %parallel_loop3A_431 = vector.shape_cast %parallel_loop3A_430 : vector<16xf32> to vector<16xf32>
      %parallel_loop3A_432 = arith.index_cast %parallel_loop3A_428 : i32 to index
      %parallel_loop3A_433 = tpu.vector_load %arg10[%parallel_loop3A_432] {strides = array<i32>} : memref<8192xf32, #tpu.memory_space<vmem>>, vector<16xf32>,
      %parallel_loop3A_434 = vector.shape_cast %parallel_loop3A_433 : vector<16xf32> to vector<16xf32>
      %parallel_loop3A_435 = arith.cmpf ogt, %parallel_loop3A_431, %parallel_loop3A_434 : vector<16xf32>
      %parallel_loop3A_436 = arith.constant 1.000000e+00 : f32
      %parallel_loop3A_437 = arith.constant 0.000000e+00 : f32
      %parallel_loop3A_438 = vector.broadcast %parallel_loop3A_436 : f32 to vector<16xf32>
      %parallel_loop3A_439 = vector.broadcast %parallel_loop3A_437 : f32 to vector<16xf32>
      %parallel_loop3A_440 = arith.select %parallel_loop3A_435, %parallel_loop3A_438, %parallel_loop3A_439 : vector<16xi1>, vector<16xf32>
      %parallel_loop3A_441 = arith.index_cast %parallel_loop3A_428 : i32 to index
      %parallel_loop3A_442 = tpu.vector_load %arg14[%parallel_loop3A_441] {strides = array<i32>} : memref<8192xf32, #tpu.memory_space<vmem>>, vector<16xf32>,
      %parallel_loop3A_443 = vector.shape_cast %parallel_loop3A_442 : vector<16xf32> to vector<16xf32>
      %parallel_loop3A_444 = vector.shape_cast %parallel_loop3A_440 : vector<16xf32> to vector<16xf32>
      tpu.vector_store %arg14[%parallel_loop3A_441], %parallel_loop3A_444 {strides = array<i32>} : memref<8192xf32, #tpu.memory_space<vmem>>, vector<16xf32>,
    } {sc.loop_unroll_factor = 8 : i64, sc.parallel_access}
    %add3A_332 = arith.constant 24576 : i32
    %add3A_333 = arith.addi %mul3A_2, %add3A_332 : i32
    %dma_start3A_334 = tpu.memref_slice %arg5[%add3A_333] : memref<2097152xf32, #tpu.memory_space<hbm>> -> memref<8192xf32, #tpu.memory_space<hbm>>
    %dma_start3A_335 = tpu.memref_slice %arg5[%add3A_333] : memref<2097152xf32, #tpu.memory_space<hbm>> -> memref<8192xf32, #tpu.memory_space<hbm>>
    tpu.enqueue_dma source(%arg14 : memref<8192xf32, #tpu.memory_space<vmem>>) target(%dma_start3A_335 : memref<8192xf32, #tpu.memory_space<hbm>>) target_semaphore(%arg22 : memref<!tpu.dma_semaphore, #tpu.memory_space<semaphore_mem>>)
    %add3A_336 = arith.constant 40960 : i32
    %add3A_337 = arith.addi %mul3A_2, %add3A_336 : i32
    %dma_start3A_338 = tpu.memref_slice %arg4[%add3A_337] : memref<2097152xi32, #tpu.memory_space<hbm>> -> memref<8192xi32, #tpu.memory_space<hbm>>
    %dma_start3A_339 = tpu.memref_slice %arg4[%add3A_337] : memref<2097152xi32, #tpu.memory_space<hbm>> -> memref<8192xi32, #tpu.memory_space<hbm>>
    tpu.enqueue_dma source(%dma_start3A_339 : memref<8192xi32, #tpu.memory_space<hbm>>) target(%arg8 : memref<8192xi32, #tpu.memory_space<vmem>>) target_semaphore(%arg16 : memref<!tpu.dma_semaphore, #tpu.memory_space<semaphore_mem>>)
    %add3A_340 = arith.constant 40960 : i32
    %add3A_341 = arith.addi %mul3A_2, %add3A_340 : i32
    %dma_start3A_342 = tpu.memref_slice %arg2[%add3A_341] : memref<2097152xf32, #tpu.memory_space<hbm>> -> memref<8192xf32, #tpu.memory_space<hbm>>
    %dma_start3A_343 = tpu.memref_slice %arg2[%add3A_341] : memref<2097152xf32, #tpu.memory_space<hbm>> -> memref<8192xf32, #tpu.memory_space<hbm>>
    tpu.enqueue_dma source(%dma_start3A_343 : memref<8192xf32, #tpu.memory_space<hbm>>) target(%arg12 : memref<8192xf32, #tpu.memory_space<vmem>>) target_semaphore(%arg20 : memref<!tpu.dma_semaphore, #tpu.memory_space<semaphore_mem>>)
    %dma_wait3A_344 = tpu.memref_slice %arg4[%add3A_337] : memref<2097152xi32, #tpu.memory_space<hbm>> -> memref<8192xi32, #tpu.memory_space<hbm>>
    %dma_wait3A_345 = tpu.memref_slice %arg4[%add3A_337] : memref<2097152xi32, #tpu.memory_space<hbm>> -> memref<8192xi32, #tpu.memory_space<hbm>>
    tpu.wait_dma2 semaphore(%arg16 : memref<!tpu.dma_semaphore, #tpu.memory_space<semaphore_mem>>) src(%dma_wait3A_345 : memref<8192xi32, #tpu.memory_space<hbm>>) dst(%arg8 : memref<8192xi32, #tpu.memory_space<vmem>>)
    %dma_start3A_346 = arith.constant 0 : i32
    %dma_start3A_347 = tpu.memref_slice %arg6[%dma_start3A_346] : memref<1000000xf32, #tpu.memory_space<vmem_shared>> -> memref<1000000xf32, #tpu.memory_space<vmem_shared>>
    tpu.enqueue_indirect_dma source(%dma_start3A_347 : memref<1000000xf32, #tpu.memory_space<vmem_shared>>) target(%arg10 : memref<8192xf32, #tpu.memory_space<vmem>>) offsets(%arg8 : memref<8192xi32, #tpu.memory_space<vmem>>) semaphore(%arg18 : memref<!tpu.dma_semaphore, #tpu.memory_space<semaphore_mem>>)
    %dma_wait3A_348 = arith.constant 0 : i32
    %dma_wait3A_349 = tpu.memref_slice %arg6[%dma_wait3A_348] : memref<1000000xf32, #tpu.memory_space<vmem_shared>> -> memref<1000000xf32, #tpu.memory_space<vmem_shared>>
    tpu.wait_indirect_dma semaphore(%arg17 : memref<!tpu.dma_semaphore, #tpu.memory_space<semaphore_mem>>) src(%dma_wait3A_349 : memref<1000000xf32, #tpu.memory_space<vmem_shared>>) dst(%arg9 : memref<8192xf32, #tpu.memory_space<vmem>>)
    %dma_wait3A_350 = tpu.memref_slice %arg2[%add3A_316] : memref<2097152xf32, #tpu.memory_space<hbm>> -> memref<8192xf32, #tpu.memory_space<hbm>>
    %dma_wait3A_351 = tpu.memref_slice %arg2[%add3A_316] : memref<2097152xf32, #tpu.memory_space<hbm>> -> memref<8192xf32, #tpu.memory_space<hbm>>
    tpu.wait_dma2 semaphore(%arg19 : memref<!tpu.dma_semaphore, #tpu.memory_space<semaphore_mem>>) src(%dma_wait3A_351 : memref<8192xf32, #tpu.memory_space<hbm>>) dst(%arg11 : memref<8192xf32, #tpu.memory_space<vmem>>)
    %dma_wait3A_352 = tpu.memref_slice %arg5[%add3A_308] : memref<2097152xf32, #tpu.memory_space<hbm>> -> memref<8192xf32, #tpu.memory_space<hbm>>
    %dma_wait3A_353 = tpu.memref_slice %arg5[%add3A_308] : memref<2097152xf32, #tpu.memory_space<hbm>> -> memref<8192xf32, #tpu.memory_space<hbm>>
    tpu.wait_dma2 semaphore(%arg21 : memref<!tpu.dma_semaphore, #tpu.memory_space<semaphore_mem>>) src(%arg13 : memref<8192xf32, #tpu.memory_space<vmem>>) dst(%dma_wait3A_353 : memref<8192xf32, #tpu.memory_space<hbm>>)
    %parallel_loop3A_354 = arith.constant 0 : i32
    %parallel_loop3A_355 = arith.constant 8192 : i32
    %parallel_loop3A_356 = arith.constant 16 : i32
    scf.for %parallel_loop3A_428 = %parallel_loop3A_354 to %parallel_loop3A_355 step %parallel_loop3A_356  : i32 {
      %parallel_loop3A_429 = arith.index_cast %parallel_loop3A_428 : i32 to index
      %parallel_loop3A_430 = tpu.vector_load %arg11[%parallel_loop3A_429] {strides = array<i32>} : memref<8192xf32, #tpu.memory_space<vmem>>, vector<16xf32>,
      %parallel_loop3A_431 = vector.shape_cast %parallel_loop3A_430 : vector<16xf32> to vector<16xf32>
      %parallel_loop3A_432 = arith.index_cast %parallel_loop3A_428 : i32 to index
      %parallel_loop3A_433 = tpu.vector_load %arg9[%parallel_loop3A_432] {strides = array<i32>} : memref<8192xf32, #tpu.memory_space<vmem>>, vector<16xf32>,
      %parallel_loop3A_434 = vector.shape_cast %parallel_loop3A_433 : vector<16xf32> to vector<16xf32>
      %parallel_loop3A_435 = arith.cmpf ogt, %parallel_loop3A_431, %parallel_loop3A_434 : vector<16xf32>
      %parallel_loop3A_436 = arith.constant 1.000000e+00 : f32
      %parallel_loop3A_437 = arith.constant 0.000000e+00 : f32
      %parallel_loop3A_438 = vector.broadcast %parallel_loop3A_436 : f32 to vector<16xf32>
      %parallel_loop3A_439 = vector.broadcast %parallel_loop3A_437 : f32 to vector<16xf32>
      %parallel_loop3A_440 = arith.select %parallel_loop3A_435, %parallel_loop3A_438, %parallel_loop3A_439 : vector<16xi1>, vector<16xf32>
      %parallel_loop3A_441 = arith.index_cast %parallel_loop3A_428 : i32 to index
      %parallel_loop3A_442 = tpu.vector_load %arg13[%parallel_loop3A_441] {strides = array<i32>} : memref<8192xf32, #tpu.memory_space<vmem>>, vector<16xf32>,
      %parallel_loop3A_443 = vector.shape_cast %parallel_loop3A_442 : vector<16xf32> to vector<16xf32>
      %parallel_loop3A_444 = vector.shape_cast %parallel_loop3A_440 : vector<16xf32> to vector<16xf32>
      tpu.vector_store %arg13[%parallel_loop3A_441], %parallel_loop3A_444 {strides = array<i32>} : memref<8192xf32, #tpu.memory_space<vmem>>, vector<16xf32>,
    } {sc.loop_unroll_factor = 8 : i64, sc.parallel_access}
    %add3A_357 = arith.constant 32768 : i32
    %add3A_358 = arith.addi %mul3A_2, %add3A_357 : i32
    %dma_start3A_359 = tpu.memref_slice %arg5[%add3A_358] : memref<2097152xf32, #tpu.memory_space<hbm>> -> memref<8192xf32, #tpu.memory_space<hbm>>
    %dma_start3A_360 = tpu.memref_slice %arg5[%add3A_358] : memref<2097152xf32, #tpu.memory_space<hbm>> -> memref<8192xf32, #tpu.memory_space<hbm>>
    tpu.enqueue_dma source(%arg13 : memref<8192xf32, #tpu.memory_space<vmem>>) target(%dma_start3A_360 : memref<8192xf32, #tpu.memory_space<hbm>>) target_semaphore(%arg21 : memref<!tpu.dma_semaphore, #tpu.memory_space<semaphore_mem>>)
    %add3A_361 = arith.constant 49152 : i32
    %add3A_362 = arith.addi %mul3A_2, %add3A_361 : i32
    %dma_start3A_363 = tpu.memref_slice %arg4[%add3A_362] : memref<2097152xi32, #tpu.memory_space<hbm>> -> memref<8192xi32, #tpu.memory_space<hbm>>
    %dma_start3A_364 = tpu.memref_slice %arg4[%add3A_362] : memref<2097152xi32, #tpu.memory_space<hbm>> -> memref<8192xi32, #tpu.memory_space<hbm>>
    tpu.enqueue_dma source(%dma_start3A_364 : memref<8192xi32, #tpu.memory_space<hbm>>) target(%arg7 : memref<8192xi32, #tpu.memory_space<vmem>>) target_semaphore(%arg15 : memref<!tpu.dma_semaphore, #tpu.memory_space<semaphore_mem>>)
    %add3A_365 = arith.constant 49152 : i32
    %add3A_366 = arith.addi %mul3A_2, %add3A_365 : i32
    %dma_start3A_367 = tpu.memref_slice %arg2[%add3A_366] : memref<2097152xf32, #tpu.memory_space<hbm>> -> memref<8192xf32, #tpu.memory_space<hbm>>
    %dma_start3A_368 = tpu.memref_slice %arg2[%add3A_366] : memref<2097152xf32, #tpu.memory_space<hbm>> -> memref<8192xf32, #tpu.memory_space<hbm>>
    tpu.enqueue_dma source(%dma_start3A_368 : memref<8192xf32, #tpu.memory_space<hbm>>) target(%arg11 : memref<8192xf32, #tpu.memory_space<vmem>>) target_semaphore(%arg19 : memref<!tpu.dma_semaphore, #tpu.memory_space<semaphore_mem>>)
    %dma_wait3A_369 = tpu.memref_slice %arg4[%add3A_362] : memref<2097152xi32, #tpu.memory_space<hbm>> -> memref<8192xi32, #tpu.memory_space<hbm>>
    %dma_wait3A_370 = tpu.memref_slice %arg4[%add3A_362] : memref<2097152xi32, #tpu.memory_space<hbm>> -> memref<8192xi32, #tpu.memory_space<hbm>>
    tpu.wait_dma2 semaphore(%arg15 : memref<!tpu.dma_semaphore, #tpu.memory_space<semaphore_mem>>) src(%dma_wait3A_370 : memref<8192xi32, #tpu.memory_space<hbm>>) dst(%arg7 : memref<8192xi32, #tpu.memory_space<vmem>>)
    %dma_start3A_371 = arith.constant 0 : i32
    %dma_start3A_372 = tpu.memref_slice %arg6[%dma_start3A_371] : memref<1000000xf32, #tpu.memory_space<vmem_shared>> -> memref<1000000xf32, #tpu.memory_space<vmem_shared>>
    tpu.enqueue_indirect_dma source(%dma_start3A_372 : memref<1000000xf32, #tpu.memory_space<vmem_shared>>) target(%arg9 : memref<8192xf32, #tpu.memory_space<vmem>>) offsets(%arg7 : memref<8192xi32, #tpu.memory_space<vmem>>) semaphore(%arg17 : memref<!tpu.dma_semaphore, #tpu.memory_space<semaphore_mem>>)
    %dma_wait3A_373 = arith.constant 0 : i32
    %dma_wait3A_374 = tpu.memref_slice %arg6[%dma_wait3A_373] : memref<1000000xf32, #tpu.memory_space<vmem_shared>> -> memref<1000000xf32, #tpu.memory_space<vmem_shared>>
    tpu.wait_indirect_dma semaphore(%arg18 : memref<!tpu.dma_semaphore, #tpu.memory_space<semaphore_mem>>) src(%dma_wait3A_374 : memref<1000000xf32, #tpu.memory_space<vmem_shared>>) dst(%arg10 : memref<8192xf32, #tpu.memory_space<vmem>>)
    %dma_wait3A_375 = tpu.memref_slice %arg2[%add3A_341] : memref<2097152xf32, #tpu.memory_space<hbm>> -> memref<8192xf32, #tpu.memory_space<hbm>>
    %dma_wait3A_376 = tpu.memref_slice %arg2[%add3A_341] : memref<2097152xf32, #tpu.memory_space<hbm>> -> memref<8192xf32, #tpu.memory_space<hbm>>
    tpu.wait_dma2 semaphore(%arg20 : memref<!tpu.dma_semaphore, #tpu.memory_space<semaphore_mem>>) src(%dma_wait3A_376 : memref<8192xf32, #tpu.memory_space<hbm>>) dst(%arg12 : memref<8192xf32, #tpu.memory_space<vmem>>)
    %dma_wait3A_377 = tpu.memref_slice %arg5[%add3A_333] : memref<2097152xf32, #tpu.memory_space<hbm>> -> memref<8192xf32, #tpu.memory_space<hbm>>
    %dma_wait3A_378 = tpu.memref_slice %arg5[%add3A_333] : memref<2097152xf32, #tpu.memory_space<hbm>> -> memref<8192xf32, #tpu.memory_space<hbm>>
    tpu.wait_dma2 semaphore(%arg22 : memref<!tpu.dma_semaphore, #tpu.memory_space<semaphore_mem>>) src(%arg14 : memref<8192xf32, #tpu.memory_space<vmem>>) dst(%dma_wait3A_378 : memref<8192xf32, #tpu.memory_space<hbm>>)
    %parallel_loop3A_379 = arith.constant 0 : i32
    %parallel_loop3A_380 = arith.constant 8192 : i32
    %parallel_loop3A_381 = arith.constant 16 : i32
    scf.for %parallel_loop3A_428 = %parallel_loop3A_379 to %parallel_loop3A_380 step %parallel_loop3A_381  : i32 {
      %parallel_loop3A_429 = arith.index_cast %parallel_loop3A_428 : i32 to index
      %parallel_loop3A_430 = tpu.vector_load %arg12[%parallel_loop3A_429] {strides = array<i32>} : memref<8192xf32, #tpu.memory_space<vmem>>, vector<16xf32>,
      %parallel_loop3A_431 = vector.shape_cast %parallel_loop3A_430 : vector<16xf32> to vector<16xf32>
      %parallel_loop3A_432 = arith.index_cast %parallel_loop3A_428 : i32 to index
      %parallel_loop3A_433 = tpu.vector_load %arg10[%parallel_loop3A_432] {strides = array<i32>} : memref<8192xf32, #tpu.memory_space<vmem>>, vector<16xf32>,
      %parallel_loop3A_434 = vector.shape_cast %parallel_loop3A_433 : vector<16xf32> to vector<16xf32>
      %parallel_loop3A_435 = arith.cmpf ogt, %parallel_loop3A_431, %parallel_loop3A_434 : vector<16xf32>
      %parallel_loop3A_436 = arith.constant 1.000000e+00 : f32
      %parallel_loop3A_437 = arith.constant 0.000000e+00 : f32
      %parallel_loop3A_438 = vector.broadcast %parallel_loop3A_436 : f32 to vector<16xf32>
      %parallel_loop3A_439 = vector.broadcast %parallel_loop3A_437 : f32 to vector<16xf32>
      %parallel_loop3A_440 = arith.select %parallel_loop3A_435, %parallel_loop3A_438, %parallel_loop3A_439 : vector<16xi1>, vector<16xf32>
      %parallel_loop3A_441 = arith.index_cast %parallel_loop3A_428 : i32 to index
      %parallel_loop3A_442 = tpu.vector_load %arg14[%parallel_loop3A_441] {strides = array<i32>} : memref<8192xf32, #tpu.memory_space<vmem>>, vector<16xf32>,
      %parallel_loop3A_443 = vector.shape_cast %parallel_loop3A_442 : vector<16xf32> to vector<16xf32>
      %parallel_loop3A_444 = vector.shape_cast %parallel_loop3A_440 : vector<16xf32> to vector<16xf32>
      tpu.vector_store %arg14[%parallel_loop3A_441], %parallel_loop3A_444 {strides = array<i32>} : memref<8192xf32, #tpu.memory_space<vmem>>, vector<16xf32>,
    } {sc.loop_unroll_factor = 8 : i64, sc.parallel_access}
    %add3A_382 = arith.constant 40960 : i32
    %add3A_383 = arith.addi %mul3A_2, %add3A_382 : i32
    %dma_start3A_384 = tpu.memref_slice %arg5[%add3A_383] : memref<2097152xf32, #tpu.memory_space<hbm>> -> memref<8192xf32, #tpu.memory_space<hbm>>
    %dma_start3A_385 = tpu.memref_slice %arg5[%add3A_383] : memref<2097152xf32, #tpu.memory_space<hbm>> -> memref<8192xf32, #tpu.memory_space<hbm>>
    tpu.enqueue_dma source(%arg14 : memref<8192xf32, #tpu.memory_space<vmem>>) target(%dma_start3A_385 : memref<8192xf32, #tpu.memory_space<hbm>>) target_semaphore(%arg22 : memref<!tpu.dma_semaphore, #tpu.memory_space<semaphore_mem>>)
    %add3A_386 = arith.constant 57344 : i32
    %add3A_387 = arith.addi %mul3A_2, %add3A_386 : i32
    %dma_start3A_388 = tpu.memref_slice %arg4[%add3A_387] : memref<2097152xi32, #tpu.memory_space<hbm>> -> memref<8192xi32, #tpu.memory_space<hbm>>
    %dma_start3A_389 = tpu.memref_slice %arg4[%add3A_387] : memref<2097152xi32, #tpu.memory_space<hbm>> -> memref<8192xi32, #tpu.memory_space<hbm>>
    tpu.enqueue_dma source(%dma_start3A_389 : memref<8192xi32, #tpu.memory_space<hbm>>) target(%arg8 : memref<8192xi32, #tpu.memory_space<vmem>>) target_semaphore(%arg16 : memref<!tpu.dma_semaphore, #tpu.memory_space<semaphore_mem>>)
    %add3A_390 = arith.constant 57344 : i32
    %add3A_391 = arith.addi %mul3A_2, %add3A_390 : i32
    %dma_start3A_392 = tpu.memref_slice %arg2[%add3A_391] : memref<2097152xf32, #tpu.memory_space<hbm>> -> memref<8192xf32, #tpu.memory_space<hbm>>
    %dma_start3A_393 = tpu.memref_slice %arg2[%add3A_391] : memref<2097152xf32, #tpu.memory_space<hbm>> -> memref<8192xf32, #tpu.memory_space<hbm>>
    tpu.enqueue_dma source(%dma_start3A_393 : memref<8192xf32, #tpu.memory_space<hbm>>) target(%arg12 : memref<8192xf32, #tpu.memory_space<vmem>>) target_semaphore(%arg20 : memref<!tpu.dma_semaphore, #tpu.memory_space<semaphore_mem>>)
    %dma_wait3A_394 = tpu.memref_slice %arg4[%add3A_387] : memref<2097152xi32, #tpu.memory_space<hbm>> -> memref<8192xi32, #tpu.memory_space<hbm>>
    %dma_wait3A_395 = tpu.memref_slice %arg4[%add3A_387] : memref<2097152xi32, #tpu.memory_space<hbm>> -> memref<8192xi32, #tpu.memory_space<hbm>>
    tpu.wait_dma2 semaphore(%arg16 : memref<!tpu.dma_semaphore, #tpu.memory_space<semaphore_mem>>) src(%dma_wait3A_395 : memref<8192xi32, #tpu.memory_space<hbm>>) dst(%arg8 : memref<8192xi32, #tpu.memory_space<vmem>>)
    %dma_start3A_396 = arith.constant 0 : i32
    %dma_start3A_397 = tpu.memref_slice %arg6[%dma_start3A_396] : memref<1000000xf32, #tpu.memory_space<vmem_shared>> -> memref<1000000xf32, #tpu.memory_space<vmem_shared>>
    tpu.enqueue_indirect_dma source(%dma_start3A_397 : memref<1000000xf32, #tpu.memory_space<vmem_shared>>) target(%arg10 : memref<8192xf32, #tpu.memory_space<vmem>>) offsets(%arg8 : memref<8192xi32, #tpu.memory_space<vmem>>) semaphore(%arg18 : memref<!tpu.dma_semaphore, #tpu.memory_space<semaphore_mem>>)
    %dma_wait3A_398 = arith.constant 0 : i32
    %dma_wait3A_399 = tpu.memref_slice %arg6[%dma_wait3A_398] : memref<1000000xf32, #tpu.memory_space<vmem_shared>> -> memref<1000000xf32, #tpu.memory_space<vmem_shared>>
    tpu.wait_indirect_dma semaphore(%arg17 : memref<!tpu.dma_semaphore, #tpu.memory_space<semaphore_mem>>) src(%dma_wait3A_399 : memref<1000000xf32, #tpu.memory_space<vmem_shared>>) dst(%arg9 : memref<8192xf32, #tpu.memory_space<vmem>>)
    %dma_wait3A_400 = tpu.memref_slice %arg2[%add3A_366] : memref<2097152xf32, #tpu.memory_space<hbm>> -> memref<8192xf32, #tpu.memory_space<hbm>>
    %dma_wait3A_401 = tpu.memref_slice %arg2[%add3A_366] : memref<2097152xf32, #tpu.memory_space<hbm>> -> memref<8192xf32, #tpu.memory_space<hbm>>
    tpu.wait_dma2 semaphore(%arg19 : memref<!tpu.dma_semaphore, #tpu.memory_space<semaphore_mem>>) src(%dma_wait3A_401 : memref<8192xf32, #tpu.memory_space<hbm>>) dst(%arg11 : memref<8192xf32, #tpu.memory_space<vmem>>)
    %dma_wait3A_402 = tpu.memref_slice %arg5[%add3A_358] : memref<2097152xf32, #tpu.memory_space<hbm>> -> memref<8192xf32, #tpu.memory_space<hbm>>
    %dma_wait3A_403 = tpu.memref_slice %arg5[%add3A_358] : memref<2097152xf32, #tpu.memory_space<hbm>> -> memref<8192xf32, #tpu.memory_space<hbm>>
    tpu.wait_dma2 semaphore(%arg21 : memref<!tpu.dma_semaphore, #tpu.memory_space<semaphore_mem>>) src(%arg13 : memref<8192xf32, #tpu.memory_space<vmem>>) dst(%dma_wait3A_403 : memref<8192xf32, #tpu.memory_space<hbm>>)
    %parallel_loop3A_404 = arith.constant 0 : i32
    %parallel_loop3A_405 = arith.constant 8192 : i32
    %parallel_loop3A_406 = arith.constant 16 : i32
    scf.for %parallel_loop3A_428 = %parallel_loop3A_404 to %parallel_loop3A_405 step %parallel_loop3A_406  : i32 {
      %parallel_loop3A_429 = arith.index_cast %parallel_loop3A_428 : i32 to index
      %parallel_loop3A_430 = tpu.vector_load %arg11[%parallel_loop3A_429] {strides = array<i32>} : memref<8192xf32, #tpu.memory_space<vmem>>, vector<16xf32>,
      %parallel_loop3A_431 = vector.shape_cast %parallel_loop3A_430 : vector<16xf32> to vector<16xf32>
      %parallel_loop3A_432 = arith.index_cast %parallel_loop3A_428 : i32 to index
      %parallel_loop3A_433 = tpu.vector_load %arg9[%parallel_loop3A_432] {strides = array<i32>} : memref<8192xf32, #tpu.memory_space<vmem>>, vector<16xf32>,
      %parallel_loop3A_434 = vector.shape_cast %parallel_loop3A_433 : vector<16xf32> to vector<16xf32>
      %parallel_loop3A_435 = arith.cmpf ogt, %parallel_loop3A_431, %parallel_loop3A_434 : vector<16xf32>
      %parallel_loop3A_436 = arith.constant 1.000000e+00 : f32
      %parallel_loop3A_437 = arith.constant 0.000000e+00 : f32
      %parallel_loop3A_438 = vector.broadcast %parallel_loop3A_436 : f32 to vector<16xf32>
      %parallel_loop3A_439 = vector.broadcast %parallel_loop3A_437 : f32 to vector<16xf32>
      %parallel_loop3A_440 = arith.select %parallel_loop3A_435, %parallel_loop3A_438, %parallel_loop3A_439 : vector<16xi1>, vector<16xf32>
      %parallel_loop3A_441 = arith.index_cast %parallel_loop3A_428 : i32 to index
      %parallel_loop3A_442 = tpu.vector_load %arg13[%parallel_loop3A_441] {strides = array<i32>} : memref<8192xf32, #tpu.memory_space<vmem>>, vector<16xf32>,
      %parallel_loop3A_443 = vector.shape_cast %parallel_loop3A_442 : vector<16xf32> to vector<16xf32>
      %parallel_loop3A_444 = vector.shape_cast %parallel_loop3A_440 : vector<16xf32> to vector<16xf32>
      tpu.vector_store %arg13[%parallel_loop3A_441], %parallel_loop3A_444 {strides = array<i32>} : memref<8192xf32, #tpu.memory_space<vmem>>, vector<16xf32>,
    } {sc.loop_unroll_factor = 8 : i64, sc.parallel_access}
    %add3A_407 = arith.constant 49152 : i32
    %add3A_408 = arith.addi %mul3A_2, %add3A_407 : i32
    %dma_start3A_409 = tpu.memref_slice %arg5[%add3A_408] : memref<2097152xf32, #tpu.memory_space<hbm>> -> memref<8192xf32, #tpu.memory_space<hbm>>
    %dma_start3A_410 = tpu.memref_slice %arg5[%add3A_408] : memref<2097152xf32, #tpu.memory_space<hbm>> -> memref<8192xf32, #tpu.memory_space<hbm>>
    tpu.enqueue_dma source(%arg13 : memref<8192xf32, #tpu.memory_space<vmem>>) target(%dma_start3A_410 : memref<8192xf32, #tpu.memory_space<hbm>>) target_semaphore(%arg21 : memref<!tpu.dma_semaphore, #tpu.memory_space<semaphore_mem>>)
    %dma_wait3A_411 = arith.constant 0 : i32
    %dma_wait3A_412 = tpu.memref_slice %arg6[%dma_wait3A_411] : memref<1000000xf32, #tpu.memory_space<vmem_shared>> -> memref<1000000xf32, #tpu.memory_space<vmem_shared>>
    tpu.wait_indirect_dma semaphore(%arg18 : memref<!tpu.dma_semaphore, #tpu.memory_space<semaphore_mem>>) src(%dma_wait3A_412 : memref<1000000xf32, #tpu.memory_space<vmem_shared>>) dst(%arg10 : memref<8192xf32, #tpu.memory_space<vmem>>)
    %dma_wait3A_413 = tpu.memref_slice %arg2[%add3A_391] : memref<2097152xf32, #tpu.memory_space<hbm>> -> memref<8192xf32, #tpu.memory_space<hbm>>
    %dma_wait3A_414 = tpu.memref_slice %arg2[%add3A_391] : memref<2097152xf32, #tpu.memory_space<hbm>> -> memref<8192xf32, #tpu.memory_space<hbm>>
    tpu.wait_dma2 semaphore(%arg20 : memref<!tpu.dma_semaphore, #tpu.memory_space<semaphore_mem>>) src(%dma_wait3A_414 : memref<8192xf32, #tpu.memory_space<hbm>>) dst(%arg12 : memref<8192xf32, #tpu.memory_space<vmem>>)
    %dma_wait3A_415 = tpu.memref_slice %arg5[%add3A_383] : memref<2097152xf32, #tpu.memory_space<hbm>> -> memref<8192xf32, #tpu.memory_space<hbm>>
    %dma_wait3A_416 = tpu.memref_slice %arg5[%add3A_383] : memref<2097152xf32, #tpu.memory_space<hbm>> -> memref<8192xf32, #tpu.memory_space<hbm>>
    tpu.wait_dma2 semaphore(%arg22 : memref<!tpu.dma_semaphore, #tpu.memory_space<semaphore_mem>>) src(%arg14 : memref<8192xf32, #tpu.memory_space<vmem>>) dst(%dma_wait3A_416 : memref<8192xf32, #tpu.memory_space<hbm>>)
    %parallel_loop3A_417 = arith.constant 0 : i32
    %parallel_loop3A_418 = arith.constant 8192 : i32
    %parallel_loop3A_419 = arith.constant 16 : i32
    scf.for %parallel_loop3A_428 = %parallel_loop3A_417 to %parallel_loop3A_418 step %parallel_loop3A_419  : i32 {
      %parallel_loop3A_429 = arith.index_cast %parallel_loop3A_428 : i32 to index
      %parallel_loop3A_430 = tpu.vector_load %arg12[%parallel_loop3A_429] {strides = array<i32>} : memref<8192xf32, #tpu.memory_space<vmem>>, vector<16xf32>,
      %parallel_loop3A_431 = vector.shape_cast %parallel_loop3A_430 : vector<16xf32> to vector<16xf32>
      %parallel_loop3A_432 = arith.index_cast %parallel_loop3A_428 : i32 to index
      %parallel_loop3A_433 = tpu.vector_load %arg10[%parallel_loop3A_432] {strides = array<i32>} : memref<8192xf32, #tpu.memory_space<vmem>>, vector<16xf32>,
      %parallel_loop3A_434 = vector.shape_cast %parallel_loop3A_433 : vector<16xf32> to vector<16xf32>
      %parallel_loop3A_435 = arith.cmpf ogt, %parallel_loop3A_431, %parallel_loop3A_434 : vector<16xf32>
      %parallel_loop3A_436 = arith.constant 1.000000e+00 : f32
      %parallel_loop3A_437 = arith.constant 0.000000e+00 : f32
      %parallel_loop3A_438 = vector.broadcast %parallel_loop3A_436 : f32 to vector<16xf32>
      %parallel_loop3A_439 = vector.broadcast %parallel_loop3A_437 : f32 to vector<16xf32>
      %parallel_loop3A_440 = arith.select %parallel_loop3A_435, %parallel_loop3A_438, %parallel_loop3A_439 : vector<16xi1>, vector<16xf32>
      %parallel_loop3A_441 = arith.index_cast %parallel_loop3A_428 : i32 to index
      %parallel_loop3A_442 = tpu.vector_load %arg14[%parallel_loop3A_441] {strides = array<i32>} : memref<8192xf32, #tpu.memory_space<vmem>>, vector<16xf32>,
      %parallel_loop3A_443 = vector.shape_cast %parallel_loop3A_442 : vector<16xf32> to vector<16xf32>
      %parallel_loop3A_444 = vector.shape_cast %parallel_loop3A_440 : vector<16xf32> to vector<16xf32>
      tpu.vector_store %arg14[%parallel_loop3A_441], %parallel_loop3A_444 {strides = array<i32>} : memref<8192xf32, #tpu.memory_space<vmem>>, vector<16xf32>,
    } {sc.loop_unroll_factor = 8 : i64, sc.parallel_access}
    %add3A_420 = arith.constant 57344 : i32
    %add3A_421 = arith.addi %mul3A_2, %add3A_420 : i32
    %dma_start3A_422 = tpu.memref_slice %arg5[%add3A_421] : memref<2097152xf32, #tpu.memory_space<hbm>> -> memref<8192xf32, #tpu.memory_space<hbm>>
    %dma_start3A_423 = tpu.memref_slice %arg5[%add3A_421] : memref<2097152xf32, #tpu.memory_space<hbm>> -> memref<8192xf32, #tpu.memory_space<hbm>>
    tpu.enqueue_dma source(%arg14 : memref<8192xf32, #tpu.memory_space<vmem>>) target(%dma_start3A_423 : memref<8192xf32, #tpu.memory_space<hbm>>) target_semaphore(%arg22 : memref<!tpu.dma_semaphore, #tpu.memory_space<semaphore_mem>>)
    %dma_wait3A_424 = tpu.memref_slice %arg5[%add3A_408] : memref<2097152xf32, #tpu.memory_space<hbm>> -> memref<8192xf32, #tpu.memory_space<hbm>>
    %dma_wait3A_425 = tpu.memref_slice %arg5[%add3A_408] : memref<2097152xf32, #tpu.memory_space<hbm>> -> memref<8192xf32, #tpu.memory_space<hbm>>
    tpu.wait_dma2 semaphore(%arg21 : memref<!tpu.dma_semaphore, #tpu.memory_space<semaphore_mem>>) src(%arg13 : memref<8192xf32, #tpu.memory_space<vmem>>) dst(%dma_wait3A_425 : memref<8192xf32, #tpu.memory_space<hbm>>)
    %dma_wait3A_426 = tpu.memref_slice %arg5[%add3A_421] : memref<2097152xf32, #tpu.memory_space<hbm>> -> memref<8192xf32, #tpu.memory_space<hbm>>
    %dma_wait3A_427 = tpu.memref_slice %arg5[%add3A_421] : memref<2097152xf32, #tpu.memory_space<hbm>> -> memref<8192xf32, #tpu.memory_space<hbm>>
    tpu.wait_dma2 semaphore(%arg22 : memref<!tpu.dma_semaphore, #tpu.memory_space<semaphore_mem>>) src(%arg14 : memref<8192xf32, #tpu.memory_space<vmem>>) dst(%dma_wait3A_427 : memref<8192xf32, #tpu.memory_space<hbm>>)
    return
  }
}

</mosaic_0001>

<sc_bundles>
// kernel: _bsgen.3.cloned.1.call-start
scs
__scs_entry_jumppad:
0x0: {  	(pc) =	sbr.rel $0x88, $3  }
0x1: {  	(tag) =	ssettag $0x0;
	lr =	simm.s32 $0x1  }
0x2: {  	[smem:$0x3F9E] =	sst lr;
	_ =	strace $0xD0000000  }
0x3: {  	_ = 	snop  }
0x4: {  	_ = 	snop  }
0x5: {  	_ = 	snop  }
0x6: {  	_ = 	snop  }
0x7: {  	_ = 	snop  }
__scs_overlays_trampoline_lowered:
0x8: {  	[smem:$0x3FAD] =	sst s0  }
0x9: {  	[smem:$0x3FAE] =	sst s1  }
0xa: {  	[smem:$0x3FAF] =	sst s2  }
0xb: {  	[smem:$0x3FB0] =	sst s3  }
0xc: {  	[smem:$0x3FB1] =	sst s4  }
0xd: {  	[smem:$0x3FB2] =	sst s5  }
0xe: {  	[smem:$0x3FB3] =	sst s6  }
0xf: {  	[smem:$0x3FB4] =	sst s7  }
0x10: {  	[smem:$0x3FB5] =	sst s8  }
0x11: {  	[smem:$0x3FB6] =	sst s9;
	s0 =	simm.s32 @!p0 $0x0  }
0x12: {  	s1 =	sld [smem:$0x3F9C];
	s0 =	simm.s32 @p0 $0x1  }
0x13: {  	[smem:$0x3FB7] =	sst s0;
	s0 =	simm.s32 @!p1 $0x0  }
0x14: {  	s2 =	sld [smem:$0x3F9B];
	s0 =	simm.s32 @p1 $0x1  }
0x15: {  	[smem:$0x3FB8] =	sst s0;
	s0 =	simm.s32 @!p2 $0x0  }
0x16: {  	s3 =	sld [smem:$0x3FDB];
	s0 =	simm.s32 @p2 $0x1  }
0x17: {  	s4 =	simm.s32 $0x1BF5;
	[smem:$0x3FBA] =	sst s0  }
0x18: {  	s0 =	sld [smem:$0x3F9D];
	_ =	swait.ge [sflag:s4], $0x0  }
0x19: {  	s7 =	sld [smem:$0x3F9E]  }
0x1a: {  	s8 =	sadd.s32 $0xFFFFE003, lr  }
0x1b: {  	s9 =	sadd.s32 $0xFFFFFEF7, lr;
	s5 =	simm.s32 $0xFFFFFFFF;
	p2 =	slt.u32 s8, $0xFFFFF086  }
0x1c: {  	p1 =	slt.u32 s9, $0xF7A;
	s5 =	simm.s32 @!p2 $0x0  }
0x1d: {  	s5 =	simm.s32 @p1 $0x1;
	p0 =	seq.s32 s7, s2  }
0x1e: {  	s7 =	smul.u32 @!p0 $0xF7A, s2;
	p2 =	seq.s32 @!p0 s5, $0x0  }
0x1f: {  	s9 =	smul.u32 $0xF7A, s1;
	s8 =	simm.s32 @!p0 $0x1BF5;
	p2 =	por !p2, p0  }
0x20: {  	[sflag:s8] =	ssyncset.s32 @!p0 $0xFFFFF086;
	s6 =	sadd.s32 @!p0 s3, s7;
	s7 =	simm.s32 @!p0 $0x108  }
0x21: {  	s3 =	sadd.s32 s3, s9;
	s6 =	sadd.s32 @!p0 $0x88, s6;
	s7 =	simm.s32 @p2 $0x1082  }
0x22: {  	[simem:s7], [sflag:s8] =	dma.local @!p0 [hbm:s6], $0xF7A  }
0x23: {  	s9 =	sor.u32 $0xD0000000, s2;
	s6 =	simm.s32 $0x108;
	_ =	swait.ge @!p0 [sflag:s8], $0x0  }
0x24: {  	s3 =	sadd.s32 $0x88, s3;
	s6 =	simm.s32 @!p1 $0x1082;
	[sflag:s4] =	ssyncset.s32 $0xFFFFF086  }
0x25: {  	[simem:s6], [sflag:s4] =	dma.local [hbm:s3], $0xF7A  }
0x26: {  	[smem:$0x3F9E] =	sst s1;
	(tag) =	ssettag s2;
	_ =	strace s9  }
0x27: {  	s1 =	sld [smem:$0x3FAE]  }
0x28: {  	s2 =	sld [smem:$0x3FAF]  }
0x29: {  	s4 =	sld [smem:$0x3FB1]  }
0x2a: {  	p0 =	seq.s32 s5, $0x0;
	s5 =	sld [smem:$0x3FB2]  }
0x2b: {  	s6 =	sld [smem:$0x3FB3]  }
0x2c: {  	s7 =	sld [smem:$0x3FB4]  }
0x2d: {  	s3 =	simm.s32 $0x108;
	s8 =	sld [smem:$0x3FB5]  }
0x2e: {  	s3 =	simm.s32 @!p0 $0x1082;
	s9 =	sld [smem:$0x3FB6]  }
0x2f: {  	lr =	sadd.s32 s0, s3;
	s0 =	sld [smem:$0x3FAD]  }
0x30: {  	s3 =	sld [smem:$0x3FB0]  }
0x31: {  	[smem:$0x3FB9] =	sst s10  }
0x32: {  	s10 =	sld [smem:$0x3FB7];
	_ =	sdelay $0x3  }
0x33: {  	p0 =	seq.s32 s10, $0x1;
	s10 =	sld [smem:$0x3FB9];
	_ =	sdelay $0x3  }
0x34: {  	[smem:$0x3FB9] =	sst s10  }
0x35: {  	s10 =	sld [smem:$0x3FB8];
	_ =	sdelay $0x3  }
0x36: {  	p1 =	seq.s32 s10, $0x1;
	s10 =	sld [smem:$0x3FB9];
	_ =	sdelay $0x3  }
0x37: {  	[smem:$0x3FB9] =	sst s10  }
0x38: {  	s10 =	sld [smem:$0x3FBA]  }
0x39: {  	_ = 	snop;
	(pc) =	sbr.ind lr, $3  }
0x3a: {  	_ = 	snop  }
0x3b: {  	_ = 	snop  }
0x3c: {  	p2 =	seq.s32 s10, $0x1;
	s10 =	sld [smem:$0x3FB9]  }
0x3d: {  	_ =	shalt  }
0x3e: {  	_ =	shalt  }
0x3f: {  	_ =	shalt  }
0x40: {  	_ =	shalt  }
0x41: {  	_ =	shalt  }
0x42: {  	_ =	shalt  }
0x43: {  	_ =	shalt  }
0x44: {  	_ =	shalt  }
0x45: {  	_ =	shalt  }
0x46: {  	_ =	shalt  }
0x47: {  	_ =	shalt  }
0x48: {  	_ =	shalt  }
0x49: {  	_ =	shalt  }
0x4a: {  	_ =	shalt  }
0x4b: {  	_ =	shalt  }
0x4c: {  	_ =	shalt  }
0x4d: {  	_ =	shalt  }
0x4e: {  	_ =	shalt  }
0x4f: {  	_ =	shalt  }
0x50: {  	_ =	shalt  }
0x51: {  	_ =	shalt  }
0x52: {  	_ =	shalt  }
0x53: {  	_ =	shalt  }
0x54: {  	_ =	shalt  }
0x55: {  	_ =	shalt  }
0x56: {  	_ =	shalt  }
0x57: {  	_ =	shalt  }
0x58: {  	_ =	shalt  }
0x59: {  	_ =	shalt  }
0x5a: {  	_ =	shalt  }
0x5b: {  	_ =	shalt  }
0x5c: {  	_ =	shalt  }
0x5d: {  	_ =	shalt  }
0x5e: {  	_ =	shalt  }
0x5f: {  	_ =	shalt  }
0x60: {  	_ =	shalt  }
0x61: {  	_ =	shalt  }
0x62: {  	_ =	shalt  }
0x63: {  	_ =	shalt  }
0x64: {  	_ =	shalt  }
0x65: {  	_ =	shalt  }
0x66: {  	_ =	shalt  }
0x67: {  	_ =	shalt  }
0x68: {  	_ =	shalt  }
0x69: {  	_ =	shalt  }
0x6a: {  	_ =	shalt  }
0x6b: {  	_ =	shalt  }
0x6c: {  	_ =	shalt  }
0x6d: {  	_ =	shalt  }
0x6e: {  	_ =	shalt  }
0x6f: {  	_ =	shalt  }
0x70: {  	_ =	shalt  }
0x71: {  	_ =	shalt  }
0x72: {  	_ =	shalt  }
0x73: {  	_ =	shalt  }
0x74: {  	_ =	shalt  }
0x75: {  	_ =	shalt  }
0x76: {  	_ =	shalt  }
0x77: {  	_ =	shalt  }
0x78: {  	_ =	shalt  }
0x79: {  	_ =	shalt  }
0x7a: {  	_ =	shalt  }
0x7b: {  	_ =	shalt  }
0x7c: {  	_ =	shalt  }
0x7d: {  	_ =	shalt  }
0x7e: {  	_ =	shalt  }
0x7f: {  	_ =	shalt  }
0x80: {  	_ =	shalt  }
0x81: {  	_ =	shalt  }
0x82: {  	_ =	shalt  }
0x83: {  	_ =	shalt  }
0x84: {  	_ =	shalt  }
0x85: {  	_ =	shalt  }
0x86: {  	_ =	shalt  }
0x87: {  	_ =	shalt  }
.Lfunc_end0:
.L_simem_size_0:
called_computation_lowered:
.L_overlay_start_0:
0x88: {  	s2 =	sld [smem:$0x3FD9]  }
0x89: {  	s3 =	sld [smem:$0x3FFE];
	_ =	sdelay $0x1  }
0x8a: {  	s1 =	srdreg.scid  }
0x8b: {  	s0 =	sand.u32 $0x1, s1  }
0x8c: {  	s18 =	sshll.u32 s0, $0xA;
	s2 =	sadd.s32 s3, s2  }
0x8d: {  	s2 =	sadd.s32 s2, s18  }
0x8e: {  	[smem:$0x3FC5] =	sst s2  }
0x8f: {  	_ = 	snop  }
0x90: {  	s2 =	sld [smem:$0x3FC9]  }
0x91: {  	s19 =	sld [smem:$0x3FC8]  }
0x92: {  	s4 =	sld [smem:$0x3FC7]  }
0x93: {  	s5 =	sld [smem:$0x3FD0];
	(tm) =	ssettm $0x1  }
0x94: {  	s6 =	sld [smem:$0x3FFB];
	_ =	sdelay $0x3  }
0x95: {  	_ =	strace s6  }
0x96: {  	s6 =	sld [smem:$0x3FFC];
	_ =	sdelay $0x3  }
0x97: {  	_ =	strace s6  }
0x98: {  	s6 =	sld [smem:$0x3FFD];
	_ =	sdelay $0x3  }
0x99: {  	_ =	strace s6  }
0x9a: {  	_ =	strace $0x8FFFFFFF  }
0x9b: {  	s20 =	sld [smem:$0x3FDB];
	_ =	sdelay $0x1  }
0x9c: {  	s7 =	simm.s32 $_scs_section_size  }
0x9d: {  	s8 =	simm.s32 $_size__tile_overlayer_lowered;
	s9 =	simm.s32 $_tile_overlayer_lowered  }
0x9e: {  	s23 =	simm.s32 $0x1BFF;
	s22 =	sshll.u32 s9, $0x1;
	s6 =	sadd.s32 s7, s20  }
0x9f: {  	s10 =	simm.s32 $0x0;
	s21 =	sshll.u32 s8, $0x1;
	s8 =	sadd.s32 s22, s6  }
0xa0: {  	[timem:s10], [sflag:s23] =	dma.local [hbm:s8], s21  }
0xa1: {  	_ =	swait.ge [sflag:s23], s21  }
0xa2: {  	s7 =	ssub.s32 $0x0, s21;
	[sflag:s23] =	ssyncset.done $0x0  }
0xa3: {  	[sflag:s23] =	ssyncadd.s32 s7;
	_ =	sdelay $0x1  }
0xa4: {  	s24 =	simm.s32 $0x1B8B  }
0xa5: {  	_ =	swait.ge [sflag:s24], $0x1  }
0xa6: {  	[sflag:s24] =	ssyncset.done $0x0  }
0xa7: {  	s25 =	simm.s32 $0x1B8E;
	[sflag:s24] =	ssyncadd.s32 $0xFFFFFFFF  }
0xa8: {  	s26 =	simm.s32 $execute0_lowered;
	[smem:$0x3FD2] =	sst s25  }
0xa9: {  	s7 =	sshll.u32 s26, $0x1;
	_ =	strace $0x80000046;
	[dreg:$0x1] =	wrdreg $0xFFFFFFFF  }
0xaa: {  	s28 =	simm.s32 $_size_execute0_lowered;
	s6 =	sadd.s32 s6, s7;
	[dreg:$0x0] =	wrdreg $0x0  }
0xab: {  	s7 =	sshll.u32 s28, $0x1;
	[dreg:$0x2] =	wrdreg s6  }
0xac: {  	[dreg:$0x3] =	wrdreg s7  }
0xad: {  	[dreg:$0x4] =	wrdreg $0xC0  }
0xae: {  	_ =	task [dreg:s10], $0x5FFFF  }
0xaf: {  	[dreg:$0x1] =	wrdreg $0xFFFFFFFF  }
0xb0: {  	[dreg:$0x0] =	wrdreg $0x60  }
0xb1: {  	[dreg:$0x2] =	wrdreg s2  }
0xb2: {  	[dreg:$0x3] =	wrdreg s19  }
0xb3: {  	[dreg:$0x4] =	wrdreg s4  }
0xb4: {  	[dreg:$0x5] =	wrdreg s5  }
0xb5: {  	[dreg:$0x6] =	wrdreg $0x0  }
0xb6: {  	[dreg:$0x7] =	wrdreg $0x9  }
0xb7: {  	_ =	task.clear_ibuf [dreg:s10], $0x8FFFF;
	_ =	strace $0x90000046  }
0xb8: {  	s29 =	simm.s32 $0x9;
	_ =	strace $0x80000048  }
0xb9: {  	_ =	swait.ge [sflag:s29], $0x1  }
0xba: {  	[sflag:s29] =	ssyncadd.s32 $0xFFFFFFFF  }
0xbb: {  	_ =	strace $0x90000048  }
0xbc: {  	_ =	sfence  }
0xbd: {  	s30 =	sld [smem:$0x0];
	_ =	sdelay $0x2  }
0xbe: {  	s31 =	sshll.u32 s1, $0xD;
	s1 =	sshrl.u32 s1, $0x2  }
0xbf: {  	s3 =	sand.u32 $0x4000, s31;
	s1 =	sadd.s32 s1, s30  }
0xc0: {  	s0 =	sor.u32 s3, s0;
	s1 =	sshll.u32 s1, $0x11  }
0xc1: {  	s0 =	sor.u32 s1, s0  }
0xc2: {  	s0 =	sadd.s32 $0x8F2B, s0  }
0xc3: {  	[sflag:s0] =	ssyncadd.remote.s32 $0x1  }
0xc4: {  	_ =	sfence.sel $0xFFFF  }
0xc5: {  	[dreg:$0x0] =	wrdreg $0xFFFFFFFF;
	(pc) =	sbr.abs _section_cstart, $3  }
0xc6: {  	[dreg:$0x1] =	wrdreg $0xFFFFFFFF  }
0xc7: {  	_ =	task.clear_ibuf [dreg:s10], $0x2FFFF;
	_ =	strace $0x9FFFFFFF  }
0xc8: {  	(tm) =	ssettm $0x7FFFFFFF  }
0xc9: {  	_ =	shalt  }
tec
execute0_lowered:
.L_overlay_start_1:
0x0: {  	(tag) =	ssettag $0x1  }
0x1: {  	s0 =	srdreg.scid  }
0x2: {  	s2 =	rddreg [dreg:$0x0];
	s11 =	stileid.u32;
	s0 =	sand.u32 $0x1, s0  }
0x3: {  	s3 =	rddreg [dreg:$0x2];
	s5 =	sshll.u32 s11, $0xE;
	s6 =	sshll.u32 s0, $0xD  }
0x4: {  	s4 =	rddreg [dreg:$0x3];
	s1 =	simm.s32 $0x0;
	s5 =	sor.u32 s6, s5  }
0x5: {  	[smem:$0x7FF] =	sst s1;
	s19 =	sadd.s32 s3, s5  }
0x6: {  	s7 =	sor.u32 $0x400, s5;
	s21 =	sadd.s32 s2, s5;
	[dreg:$0x6] =	wrdreg s19  }
0x7: {  	s23 =	sor.u32 $0x800, s5;
	s8 =	sadd.s32 s4, s5;
	[dreg:$0x8] =	wrdreg s21  }
0x8: {  	s20 =	sadd.s32 s3, s7;
	[dreg:$0xa] =	wrdreg s8;
	s24 =	sadd.s32 s3, s23  }
0x9: {  	s9 =	sadd.s32 s2, s23;
	s6 =	sadd.s32 s4, s23;
	s23 =	rddreg [dreg:$0x4]  }
0xa: {  	s22 =	sadd.s32 s2, s7;
	[dreg:$0x7] =	wrdreg s20  }
0xb: {  	[dreg:$0x9] =	wrdreg s22  }
0xc: {  	[dreg:$0xb] =	wrdreg s24  }
0xd: {  	s25 =	sor.u32 $0xC00, s5;
	s7 =	sadd.s32 s4, s7;
	[dreg:$0xc] =	wrdreg s9  }
0xe: {  	s26 =	sadd.s32 s3, s25;
	[dreg:$0xd] =	wrdreg s7  }
0xf: {  	s10 =	sor.u32 $0x1000, s5;
	[dreg:$0xe] =	wrdreg s26  }
0x10: {  	s0 =	ssub.s32 $0x2, s0;
	s12 =	sadd.s32 s3, s10;
	[dreg:$0x10] =	wrdreg s6  }
0x11: {  	s18 =	sshrl.u32 s0, $0x1;
	s13 =	sadd.s32 s2, s10;
	[dreg:$0x11] =	wrdreg s12  }
0x12: {  	s14 =	sor.u32 $0x1400, s5;
	s8 =	sadd.s32 s4, s25;
	[dreg:$0x12] =	wrdreg s13  }
0x13: {  	s0 =	ssub.s32 s0, s18;
	s15 =	sadd.s32 s3, s14;
	[dreg:$0x13] =	wrdreg s8  }
0x14: {  	s17 =	sor.u32 $0x1800, s5;
	s16 =	sadd.s32 s2, s14;
	[dreg:$0x14] =	wrdreg s15  }
0x15: {  	s5 =	sor.u32 $0x1C00, s5;
	s18 =	sadd.s32 s3, s17;
	[dreg:$0x15] =	wrdreg s16  }
0x16: {  	s3 =	sadd.s32 s3, s5;
	[dreg:$0x18] =	wrdreg s18  }
0x17: {  	s19 =	sadd.s32 s2, s17;
	[dreg:$0x19] =	wrdreg s3  }
0x18: {  	s21 =	sadd.s32 s4, s17;
	[dreg:$0x1a] =	wrdreg s19  }
0x19: {  	s9 =	sadd.s32 s2, s25;
	[dreg:$0x1c] =	wrdreg s21  }
0x1a: {  	s6 =	sadd.s32 s4, s10;
	[dreg:$0xf] =	wrdreg s9  }
0x1b: {  	s7 =	sadd.s32 s4, s14;
	[dreg:$0x16] =	wrdreg s6  }
0x1c: {  	s28 =	simm.s32 $0x3;
	s29 =	simm.s32 $0xA;
	[dreg:$0x17] =	wrdreg s7  }
0x1d: {  	s30 =	simm.s32 $0x4;
	s2 =	sadd.s32 s2, s5;
	s7 =	rddreg [dreg:$0x1]  }
0x1e: {  	s20 =	smul.u32 $0xF420, s11;
	s22 =	sadd.s32 s4, s5;
	[dreg:$0x1b] =	wrdreg s2  }
0x1f: {  	s31 =	simm.s32 $0xB;
	p0 =	sne.s32 s11, $0xF;
	[dreg:$0x1d] =	wrdreg s22  }
0x20: {  	_ =	strace $0x80000047;
	s24 =	sshrl.u32 s20, $0x3;
	s25 =	sadd.s32 $0x2000, s20  }
0x21: {  	s26 =	sadd.s32 $0x4000, s20;
	s12 =	sadd.s32 $0x6000, s20;
	s14 =	sadd.s32 $0x8000, s20  }
0x22: {  	s15 =	sadd.s32 $0xA000, s20;
	s18 =	sadd.s32 s20, s23;
	s19 =	sadd.s32 $0xC000, s20  }
0x23: {  	s2 =	sadd.s32 $0xE000, s20;
	s3 =	sadd.s32 s7, s24;
	s8 =	sshrl.u32 s25, $0x3  }
0x24: {  	s9 =	sshrl.u32 s26, $0x3;
	s13 =	sshrl.u32 s12, $0x3;
	s16 =	sshrl.u32 s14, $0x3  }
0x25: {  	s4 =	sadd.s32 s25, s23;
	[smem:$0x7F5] =	sst s18;
	s5 =	sadd.s32 s26, s23  }
0x26: {  	s20 =	sshrl.u32 s19, $0x3;
	s21 =	sshrl.u32 s2, $0x3;
	s24 =	sadd.s32 s14, s23  }
0x27: {  	s25 =	sadd.s32 s15, s23;
	s26 =	sadd.s32 s19, s23;
	[dreg:$0x1e] =	wrdreg s3  }
0x28: {  	s2 =	sadd.s32 s2, s23;
	s14 =	smax.u32 s0, $0x1;
	[smem:$0x7F3] =	sst s4  }
0x29: {  	s18 =	simm.s32 $0x17428;
	s19 =	simm.s32 $0x19428;
	[smem:$0x7F6] =	sst s5  }
0x2a: {  	s0 =	simm.s32 $0xC;
	s3 =	sadd.s32 s7, s8;
	[smem:$0x7FA] =	sst s24  }
0x2b: {  	s10 =	sadd.s32 s7, s9;
	s6 =	sadd.s32 s7, s13;
	[smem:$0x7FB] =	sst s25  }
0x2c: {  	s5 =	sadd.s32 s7, s20;
	s22 =	sadd.s32 s7, s21;
	[smem:$0x7FC] =	sst s26  }
0x2d: {  	[smem:$0x7FD] =	sst s2;
	s13 =	sadd.s32 $0x1E840, s7;
	s21 =	simm.s32 $0x13428  }
0x2e: {  	s24 =	simm.s32 $0x1B428;
	s25 =	simm.s32 $0x1D428;
	[dreg:$0x1f] =	wrdreg s3  }
0x2f: {  	s26 =	simm.s32 $0x9;
	s20 =	simm.s32 $0x7;
	[smem:$0x7F0] =	sst s10  }
0x30: {  	s2 =	simm.s32 $0x8;
	s4 =	simm.s32 $0x2000;
	[smem:$0x7F1] =	sst s6  }
0x31: {  	s8 =	simm.s32 $0x0;
	s10 =	sshrl.u32 s15, $0x3;
	[smem:$0x7F7] =	sst s5  }
0x32: {  	s6 =	sadd.s32 s7, s16;
	s3 =	sadd.s32 s12, s23;
	[smem:$0x7F9] =	sst s22  }
0x33: {  	s15 =	sadd.s32 $0xF4200, s23;
	s16 =	simm.s32 $0xF428;
	s22 =	simm.s32 $0x15428  }
0x34: {  	s5 =	simm.s32 $0x2;
	[smem:$0x7F2] =	sst s6;
	s17 =	sadd.s32 s7, s10  }
0x35: {  	[smem:$0x7F8] =	sst s3;
	s3 =	simm.s32 $0x1;
	s6 =	simm.s32 $0x5  }
0x36: {  	v0 =	vimm.f32 $0.0e+00;
	s7 =	simm.s32 $0x6;
	[smem:$0x7F4] =	sst s17;
	s17 =	simm.s32 $0x11428  }
.LBB2_1:
0x37: {  	s9 =	rddreg [dreg:$0x6]  }
0x38: {  	s12 =	rddreg [dreg:$0x7]  }
0x39: {  	[tilespmem:s16], [sflag:$0x1] =	stream.linear.gather [hbm4b:s9+s1], $0x2000, $0x38;
	[tilespmem:$0x1F428] =	vst v63  }
0x3a: {  	s10 =	rddreg [dreg:$0x8]  }
0x3b: {  	[tilespmem:s17], [sflag:$0x2] =	stream.linear.gather [hbm4b:s12+s1], $0x2000, $0x38;
	[tilespmem:$0x1F428] =	vst v63  }
0x3c: {  	s11 =	rddreg [dreg:$0x9]  }
0x3d: {  	[tilespmem:s18], [sflag:$0x5] =	stream.linear.gather [hbm4b:s10+s1], $0x2000, $0x38;
	[tilespmem:$0x1F428] =	vst v63  }
0x3e: {  	s12 =	rddreg [dreg:$0x1e]  }
0x3f: {  	[tilespmem:s19], [sflag:$0x6] =	stream.linear.gather [hbm4b:s11+s1], $0x2000, $0x38;
	[tilespmem:$0x1F428] =	vst v63  }
0x40: {  	s10 =	rddreg [dreg:$0x1f]  }
0x41: {  	[tilespmem:s21], [sflag:$0x9] =	stream.linear.gather [hbm4b:s12+s1], $0x2000, $0x38;
	[tilespmem:$0x1F428] =	vst v63  }
0x42: {  	s11 =	sld [smem:$0x7F0]  }
0x43: {  	[tilespmem:s22], [sflag:$0xA] =	stream.linear.gather [hbm4b:s10+s1], $0x2000, $0x38;
	[tilespmem:$0x1F428] =	vst v63  }
0x44: {  	s12 =	sld [smem:$0x7F1]  }
0x45: {  	[tilespmem:s24], [sflag:$0xB] =	stream.linear.gather [hbm4b:s11+s1], $0x2000, $0x38;
	[tilespmem:$0x1F428] =	vst v63  }
0x46: {  	_ = 	snop  }
0x47: {  	[tilespmem:s25], [sflag:$0xC] =	stream.linear.gather [hbm4b:s12+s1], $0x2000, $0x38;
	[tilespmem:$0x1F428] =	vst v63  }
0x48: {  	_ =	swait.ge [sflag:s26], $0x2000  }
0x49: {  	s10 =	sld [smem:$0x7F5]  }
0x4a: {  	[sflag:s26] =	ssyncset.done $0x0  }
0x4b: {  	[sflag:s26] =	ssyncadd.s32 $0xFFFFE000  }
0x4c: {  	[spmem:s10] =	stream.linear.scatter [tilespmem:s21], [sflag:$0x3], $0x2000, $0x38;
	[tilespmem:$0x1F428] =	vst v63  }
0x4d: {  	_ =	swait.ge [sflag:s28], $0x2000  }
0x4e: {  	s11 =	sld [smem:$0x7F2]  }
0x4f: {  	[sflag:s28] =	ssyncset.done $0x0  }
0x50: {  	[sflag:s28] =	ssyncadd.s32 $0xFFFFE000  }
0x51: {  	[tilespmem:s21], [sflag:$0x9] =	stream.linear.gather [hbm4b:s11+s1], $0x2000, $0x38;
	[tilespmem:$0x1F428] =	vst v63  }
0x52: {  	_ =	swait.ge [sflag:s29], $0x2000  }
0x53: {  	s12 =	sld [smem:$0x7F3]  }
0x54: {  	[sflag:s29] =	ssyncset.done $0x0  }
0x55: {  	[sflag:s29] =	ssyncadd.s32 $0xFFFFE000  }
0x56: {  	[spmem:s12] =	stream.linear.scatter [tilespmem:s22], [sflag:$0x4], $0x2000, $0x38;
	[tilespmem:$0x1F428] =	vst v63  }
0x57: {  	_ =	swait.ge [sflag:s30], $0x2000  }
0x58: {  	s10 =	sld [smem:$0x7F4]  }
0x59: {  	[sflag:s30] =	ssyncset.done $0x0  }
0x5a: {  	[sflag:s30] =	ssyncadd.s32 $0xFFFFE000  }
0x5b: {  	[tilespmem:s22], [sflag:$0xA] =	stream.linear.gather [hbm4b:s10+s1], $0x2000, $0x38;
	[tilespmem:$0x1F428] =	vst v63  }
0x5c: {  	_ =	swait.ge [sflag:s31], $0x2000  }
0x5d: {  	s11 =	sld [smem:$0x7F6]  }
0x5e: {  	[sflag:s31] =	ssyncset.done $0x0  }
0x5f: {  	[sflag:s31] =	ssyncadd.s32 $0xFFFFE000  }
0x60: {  	[spmem:s11] =	stream.linear.scatter [tilespmem:s24], [sflag:$0x7], $0x2000, $0x38;
	[tilespmem:$0x1F428] =	vst v63  }
0x61: {  	_ =	swait.ge [sflag:s20], $0x2000  }
0x62: {  	s12 =	sld [smem:$0x7F7]  }
0x63: {  	[sflag:s20] =	ssyncset.done $0x0  }
0x64: {  	[sflag:s20] =	ssyncadd.s32 $0xFFFFE000  }
0x65: {  	[tilespmem:s24], [sflag:$0xB] =	stream.linear.gather [hbm4b:s12+s1], $0x2000, $0x38;
	[tilespmem:$0x1F428] =	vst v63  }
0x66: {  	_ =	swait.ge [sflag:s0], $0x2000  }
0x67: {  	s10 =	sld [smem:$0x7F8]  }
0x68: {  	[sflag:s0] =	ssyncset.done $0x0  }
0x69: {  	[sflag:s0] =	ssyncadd.s32 $0xFFFFE000  }
0x6a: {  	[spmem:s10] =	stream.linear.scatter [tilespmem:s25], [sflag:$0x8], $0x2000, $0x38;
	[tilespmem:$0x1F428] =	vst v63  }
0x6b: {  	_ =	swait.ge [sflag:s2], $0x2000  }
0x6c: {  	s11 =	sld [smem:$0x7F9]  }
0x6d: {  	[sflag:s2] =	ssyncset.done $0x0  }
0x6e: {  	[sflag:s2] =	ssyncadd.s32 $0xFFFFE000  }
0x6f: {  	[tilespmem:s25], [sflag:$0xC] =	stream.linear.gather [hbm4b:s11+s1], $0x1420, $0x38;
	[tilespmem:$0x1F428] =	vst v63  }
0x70: {  	_ =	swait.ge [sflag:s26], $0x2000  }
0x71: {  	s12 =	sld [smem:$0x7FA]  }
0x72: {  	[sflag:s26] =	ssyncset.done $0x0  }
0x73: {  	[sflag:s26] =	ssyncadd.s32 $0xFFFFE000  }
0x74: {  	[spmem:s12] =	stream.linear.scatter [tilespmem:s21], [sflag:$0x3], $0x2000, $0x38;
	[tilespmem:$0x1F428] =	vst v63  }
0x75: {  	_ =	swait.ge [sflag:s29], $0x2000  }
0x76: {  	s10 =	sld [smem:$0x7FB]  }
0x77: {  	[sflag:s29] =	ssyncset.done $0x0  }
0x78: {  	[sflag:s29] =	ssyncadd.s32 $0xFFFFE000  }
0x79: {  	[spmem:s10] =	stream.linear.scatter [tilespmem:s22], [sflag:$0x4], $0x2000, $0x38;
	[tilespmem:$0x1F428] =	vst v63  }
0x7a: {  	_ =	swait.ge [sflag:s31], $0x2000  }
0x7b: {  	s11 =	sld [smem:$0x7FC]  }
0x7c: {  	[sflag:s31] =	ssyncset.done $0x0  }
0x7d: {  	[sflag:s31] =	ssyncadd.s32 $0xFFFFE000  }
0x7e: {  	[spmem:s11] =	stream.linear.scatter [tilespmem:s24], [sflag:$0x7], $0x2000, $0x38;
	[tilespmem:$0x1F428] =	vst v63  }
0x7f: {  	_ =	swait.ge [sflag:s0], $0x1420  }
0x80: {  	s12 =	sld [smem:$0x7FD]  }
0x81: {  	[sflag:s0] =	ssyncset.done $0x0  }
0x82: {  	[sflag:s0] =	ssyncadd.s32 $0xFFFFEBE0  }
0x83: {  	[spmem:s12] =	stream.linear.scatter [tilespmem:s25], [sflag:$0x8], $0x1420, $0x38;
	[tilespmem:$0x1F428] =	vst v63  }
0x84: {  	_ =	swait.ge [sflag:s28], $0x2000  }
0x85: {  	[sflag:s28] =	ssyncset.done $0x0  }
0x86: {  	[sflag:s28] =	ssyncadd.s32 $0xFFFFE000  }
0x87: {  	_ =	swait.ge [sflag:s30], $0x2000  }
0x88: {  	[sflag:s30] =	ssyncset.done $0x0  }
0x89: {  	[sflag:s30] =	ssyncadd.s32 $0xFFFFE000  }
0x8a: {  	_ =	swait.ge [sflag:s20], $0x2000  }
0x8b: {  	[sflag:s20] =	ssyncset.done $0x0  }
0x8c: {  	[sflag:s20] =	ssyncadd.s32 $0xFFFFE000  }
0x8d: {  	_ =	swait.ge [sflag:s2], $0x1420  }
0x8e: {  	[sflag:s2] =	ssyncset.done $0x0  }
0x8f: {  	s9 =	simm.s32 @!p0 $0x0;
	s10 =	simm.s32 @!p0 $0x13428;
	[sflag:s2] =	ssyncadd.s32 $0xFFFFEBE0  }
0x90: {  	[tilespmem:s10], [sflag:$0xD] =	stream.linear.gather @!p0 [hbm4b:s13+s9], $0x40, $0x38;
	[tilespmem:$0x1F428] =	vst v63  }
0x91: {  	s9 =	simm.s32 @!p0 $0xD  }
0x92: {  	_ =	swait.ge @!p0 [sflag:s9], $0x40  }
0x93: {  	[sflag:s9] =	ssyncset.done @!p0 $0x0  }
0x94: {  	[sflag:s9] =	ssyncadd.s32 @!p0 $0xFFFFFFC0  }
0x95: {  	[spmem:s15] =	stream.linear.scatter @!p0 [tilespmem:s10], [sflag:$0xD], $0x40, $0x38;
	[tilespmem:$0x1F428] =	vst v63  }
0x96: {  	_ =	swait.ge @!p0 [sflag:s9], $0x40  }
0x97: {  	[sflag:s9] =	ssyncset.done @!p0 $0x0  }
0x98: {  	[sflag:s9] =	ssyncadd.s32 @!p0 $0xFFFFFFC0  }
0x99: {  	[bflag:$0x0] =	sbarrier.arrive $0xFFFF  }
0x9a: {  	_ =	swait.ge [sflag:s3], $0x2000  }
0x9b: {  	[sflag:s3] =	ssyncset.done $0x0  }
0x9c: {  	[sflag:s3] =	ssyncadd.s32 $0xFFFFE000  }
0x9d: {  	[tilespmem:s21], [sflag:$0x3] =	stream.indirect.gather [spmem:s23], $0x1, s16, s4, $0xb8;
	[tilespmem:$0x1F428] =	vst v63  }
0x9e: {  	_ =	swait.ge [sflag:s5], $0x2000  }
0x9f: {  	[sflag:s5] =	ssyncset.done $0x0  }
0xa0: {  	[sflag:s5] =	ssyncadd.s32 $0xFFFFE000  }
0xa1: {  	[tilespmem:s22], [sflag:$0x4] =	stream.indirect.gather [spmem:s23], $0x1, s17, s4, $0xb8;
	[tilespmem:$0x1F428] =	vst v63  }
0xa2: {  	_ =	swait.ge [sflag:s28], $0x2000  }
0xa3: {  	[sflag:s28] =	ssyncset.done $0x0  }
0xa4: {  	[sflag:s28] =	ssyncadd.s32 $0xFFFFE000  }
0xa5: {  	_ =	swait.ge [sflag:s6], $0x2000  }
0xa6: {  	[sflag:s6] =	ssyncset.done $0x0  }
0xa7: {  	s12 =	simm.s32 $0x17468;
	[sflag:s6] =	ssyncadd.s32 $0xFFFFE000  }
0xa8: {  	s9 =	simm.s32 $0x13468;
	v2 =	vld [tilespmem:s12+$0x30]  }
0xa9: {  	v3 =	vld [tilespmem:s9+$0x30]  }
0xaa: {  	v1 =	vld [tilespmem:s9+$0xFFFFFFC0]  }
0xab: {  	v4 =	vld [tilespmem:s12+$0xFFFFFFD0]  }
0xac: {  	v5 =	vld [tilespmem:s9+$0xFFFFFFD0]  }
0xad: {  	v6 =	vld [tilespmem:s12+$0xFFFFFFE0]  }
0xae: {  	v7 =	vld [tilespmem:s9+$0xFFFFFFE0]  }
0xaf: {  	v8 =	vld [tilespmem:s12+$0xFFFFFFF0]  }
0xb0: {  	v9 =	vld [tilespmem:s9+$0xFFFFFFF0]  }
0xb1: {  	v10 =	vld [tilespmem:s12+$0x0]  }
0xb2: {  	v11 =	vld [tilespmem:s9+$0x0];
	vm0 =	vgt.f32 v2, v3  }
0xb3: {  	s10 =	simm.s32 $0x1B468;
	v2 =	vld [tilespmem:s12+$0x10];
	v3 =	vsel vm0, $0x3F800000, v0;
	vm0 =	vgt.f32 v4, v5  }
0xb4: {  	v4 =	vld [tilespmem:s9+$0x10];
	[tilespmem:s10+$0x30] =	vst v3;
	v3 =	vsel vm0, $0x3F800000, v0;
	vm0 =	vgt.f32 v6, v7  }
0xb5: {  	v6 =	vld [tilespmem:s9+$0x20];
	[tilespmem:s10+$0xFFFFFFD0] =	vst v3;
	v5 =	vsel vm0, $0x3F800000, v0;
	vm0 =	vgt.f32 v8, v9  }
0xb6: {  	v3 =	vld [tilespmem:s12+$0x20];
	[tilespmem:s10+$0xFFFFFFE0] =	vst v5;
	v7 =	vsel vm0, $0x3F800000, v0  }
0xb7: {  	s11 =	simm.s32 $0x0;
	v5 =	vld [tilespmem:s12+$0xFFFFFFC0];
	vm0 =	vgt.f32 v10, v11;
	s12 =	simm.s32 $0x174E8;
	[tilespmem:s10+$0xFFFFFFF0] =	vst v7  }
.LBB2_2:
0xb8: {  	v7 =	vld [tilespmem:s12+$0x30];
	v8 =	vsel vm0, $0x3F800000, v0;
	s9 =	sadd.s32 $0x80, s9  }
0xb9: {  	s11 =	sadd.s32 $0x80, s11;
	v9 =	vld [tilespmem:s9+$0x30];
	[tilespmem:s10+$0x0] =	vst v8;
	vm0 =	vgt.f32 v2, v4  }
0xba: {  	p1 =	slt.u32 s11, $0x1F80;
	v2 =	vld [tilespmem:s9+$0xFFFFFFC0];
	v4 =	vsel vm0, $0x3F800000, v0  }
0xbb: {  	v8 =	vld [tilespmem:s12+$0xFFFFFFD0];
	[tilespmem:s10+$0x10] =	vst v4;
	vm0 =	vgt.f32 v3, v6  }
0xbc: {  	v3 =	vld [tilespmem:s9+$0xFFFFFFD0];
	vm1 =	vgt.f32 v5, v1;
	v1 =	vsel vm0, $0x3F800000, v0  }
0xbd: {  	v4 =	vld [tilespmem:s12+$0xFFFFFFE0];
	v5 =	vsel vm1, $0x3F800000, v0;
	[tilespmem:s10+$0x20] =	vst v1  }
0xbe: {  	v6 =	vld [tilespmem:s9+$0xFFFFFFE0];
	vm0 =	vgt.f32 v7, v9;
	[tilespmem:s10+$0xFFFFFFC0] =	vst v5  }
0xbf: {  	s10 =	sadd.s32 $0x80, s10;
	v5 =	vld [tilespmem:s12+$0xFFFFFFF0];
	v7 =	vsel vm0, $0x3F800000, v0;
	v1 =	vmov v2  }
0xc0: {  	v9 =	vld [tilespmem:s9+$0xFFFFFFF0];
	[tilespmem:s10+$0x30] =	vst v7  }
0xc1: {  	vm0 =	vgt.f32 v8, v3;
	v7 =	vld [tilespmem:s12+$0x0]  }
0xc2: {  	v2 =	vsel vm0, $0x3F800000, v0;
	v8 =	vld [tilespmem:s9+$0x0]  }
.Ltmp0:
0xc3: {  	[tilespmem:s10+$0xFFFFFFD0] =	vst v2;
	vm0 =	vgt.f32 v4, v6;
	v2 =	vld [tilespmem:s12+$0x10];
	(pc) =	sbr.rel @p1 .LBB2_2-.Ltmp0, $4  }
0xc4: {  	v3 =	vsel vm0, $0x3F800000, v0;
	v4 =	vld [tilespmem:s9+$0x10]  }
0xc5: {  	[tilespmem:s10+$0xFFFFFFE0] =	vst v3;
	vm0 =	vgt.f32 v5, v9;
	v3 =	vld [tilespmem:s12+$0x20]  }
0xc6: {  	v9 =	vsel vm0, $0x3F800000, v0;
	v6 =	vld [tilespmem:s9+$0x20]  }
0xc7: {  	v5 =	vld [tilespmem:s12+$0xFFFFFFC0];
	[tilespmem:s10+$0xFFFFFFF0] =	vst v9;
	vm0 =	vgt.f32 v7, v8;
	s12 =	sadd.s32 $0x80, s12  }
0xc8: {  	_ =	sdelay $0x1  }
0xc9: {  	v7 =	vsel vm0, $0x3F800000, v0;
	vm0 =	vgt.f32 v2, v4  }
0xca: {  	[tilespmem:s10+$0x0] =	vst v7;
	v2 =	vsel vm0, $0x3F800000, v0;
	vm0 =	vgt.f32 v3, v6  }
0xcb: {  	[tilespmem:s10+$0x10] =	vst v2;
	vm1 =	vgt.f32 v5, v1;
	v1 =	vsel vm0, $0x3F800000, v0  }
0xcc: {  	v2 =	vsel vm1, $0x3F800000, v0;
	[tilespmem:s10+$0x20] =	vst v1  }
0xcd: {  	[tilespmem:s10+$0xFFFFFFC0] =	vst v2  }
0xce: {  	s9 =	rddreg [dreg:$0xa]  }
0xcf: {  	[hbm4b:s9+s1] =	stream.linear.scatter [tilespmem:s24], [sflag:$0x7], $0x2000, $0x38;
	[tilespmem:$0x1F428] =	vst v63  }
0xd0: {  	s11 =	rddreg [dreg:$0xb]  }
0xd1: {  	[tilespmem:s16], [sflag:$0x1] =	stream.linear.gather [hbm4b:s11+s1], $0x2000, $0x38;
	[tilespmem:$0x1F428] =	vst v63  }
0xd2: {  	s12 =	rddreg [dreg:$0xc]  }
0xd3: {  	[tilespmem:s18], [sflag:$0x5] =	stream.linear.gather [hbm4b:s12+s1], $0x2000, $0x38;
	[tilespmem:$0x1F428] =	vst v63  }
0xd4: {  	_ =	swait.ge [sflag:s3], $0x2000  }
0xd5: {  	[sflag:s3] =	ssyncset.done $0x0  }
0xd6: {  	[sflag:s3] =	ssyncadd.s32 $0xFFFFE000  }
0xd7: {  	[tilespmem:s21], [sflag:$0x3] =	stream.indirect.gather [spmem:s23], $0x1, s16, s4, $0xb8;
	[tilespmem:$0x1F428] =	vst v63  }
0xd8: {  	_ =	swait.ge [sflag:s30], $0x2000  }
0xd9: {  	[sflag:s30] =	ssyncset.done $0x0  }
0xda: {  	[sflag:s30] =	ssyncadd.s32 $0xFFFFE000  }
0xdb: {  	_ =	swait.ge [sflag:s7], $0x2000  }
0xdc: {  	[sflag:s7] =	ssyncset.done $0x0  }
0xdd: {  	s12 =	simm.s32 $0x19468;
	[sflag:s7] =	ssyncadd.s32 $0xFFFFE000  }
0xde: {  	s9 =	simm.s32 $0x15468;
	v2 =	vld [tilespmem:s12+$0x30]  }
0xdf: {  	v3 =	vld [tilespmem:s9+$0x30]  }
0xe0: {  	v1 =	vld [tilespmem:s9+$0xFFFFFFC0]  }
0xe1: {  	v4 =	vld [tilespmem:s12+$0xFFFFFFD0]  }
0xe2: {  	v5 =	vld [tilespmem:s9+$0xFFFFFFD0]  }
0xe3: {  	v6 =	vld [tilespmem:s12+$0xFFFFFFE0]  }
0xe4: {  	v7 =	vld [tilespmem:s9+$0xFFFFFFE0]  }
0xe5: {  	v8 =	vld [tilespmem:s12+$0xFFFFFFF0]  }
0xe6: {  	v9 =	vld [tilespmem:s9+$0xFFFFFFF0]  }
0xe7: {  	v10 =	vld [tilespmem:s12+$0x0]  }
0xe8: {  	v11 =	vld [tilespmem:s9+$0x0];
	vm0 =	vgt.f32 v2, v3  }
0xe9: {  	s10 =	simm.s32 $0x1D468;
	vm1 =	vgt.f32 v4, v5;
	v2 =	vld [tilespmem:s12+$0x10];
	v3 =	vsel vm0, $0x3F800000, v0  }
0xea: {  	v4 =	vld [tilespmem:s9+$0x10];
	vm0 =	vgt.f32 v6, v7;
	[tilespmem:s10+$0x30] =	vst v3;
	v3 =	vsel vm1, $0x3F800000, v0  }
0xeb: {  	v6 =	vld [tilespmem:s9+$0x20];
	v5 =	vsel vm0, $0x3F800000, v0;
	vm0 =	vgt.f32 v8, v9;
	[tilespmem:s10+$0xFFFFFFD0] =	vst v3  }
0xec: {  	v3 =	vld [tilespmem:s12+$0x20];
	[tilespmem:s10+$0xFFFFFFE0] =	vst v5;
	v7 =	vsel vm0, $0x3F800000, v0  }
0xed: {  	s11 =	simm.s32 $0x0;
	v5 =	vld [tilespmem:s12+$0xFFFFFFC0];
	vm0 =	vgt.f32 v10, v11;
	s12 =	simm.s32 $0x194E8;
	[tilespmem:s10+$0xFFFFFFF0] =	vst v7  }
.LBB2_4:
0xee: {  	v7 =	vld [tilespmem:s12+$0x30];
	v8 =	vsel vm0, $0x3F800000, v0;
	s9 =	sadd.s32 $0x80, s9  }
0xef: {  	s11 =	sadd.s32 $0x80, s11;
	v9 =	vld [tilespmem:s9+$0x30];
	[tilespmem:s10+$0x0] =	vst v8;
	vm0 =	vgt.f32 v2, v4  }
0xf0: {  	p1 =	slt.u32 s11, $0x1F80;
	v2 =	vld [tilespmem:s9+$0xFFFFFFC0];
	v4 =	vsel vm0, $0x3F800000, v0  }
0xf1: {  	v8 =	vld [tilespmem:s12+$0xFFFFFFD0];
	[tilespmem:s10+$0x10] =	vst v4;
	vm0 =	vgt.f32 v3, v6  }
0xf2: {  	v3 =	vld [tilespmem:s9+$0xFFFFFFD0];
	vm1 =	vgt.f32 v5, v1;
	v1 =	vsel vm0, $0x3F800000, v0  }
0xf3: {  	v4 =	vld [tilespmem:s12+$0xFFFFFFE0];
	v5 =	vsel vm1, $0x3F800000, v0;
	[tilespmem:s10+$0x20] =	vst v1  }
0xf4: {  	v6 =	vld [tilespmem:s9+$0xFFFFFFE0];
	vm0 =	vgt.f32 v7, v9;
	[tilespmem:s10+$0xFFFFFFC0] =	vst v5  }
0xf5: {  	s10 =	sadd.s32 $0x80, s10;
	v5 =	vld [tilespmem:s12+$0xFFFFFFF0];
	v7 =	vsel vm0, $0x3F800000, v0;
	v1 =	vmov v2  }
0xf6: {  	v9 =	vld [tilespmem:s9+$0xFFFFFFF0];
	[tilespmem:s10+$0x30] =	vst v7  }
0xf7: {  	vm0 =	vgt.f32 v8, v3;
	v7 =	vld [tilespmem:s12+$0x0]  }
0xf8: {  	v2 =	vsel vm0, $0x3F800000, v0;
	v8 =	vld [tilespmem:s9+$0x0]  }
.Ltmp1:
0xf9: {  	[tilespmem:s10+$0xFFFFFFD0] =	vst v2;
	vm0 =	vgt.f32 v4, v6;
	v2 =	vld [tilespmem:s12+$0x10];
	(pc) =	sbr.rel @p1 .LBB2_4-.Ltmp1, $4  }
0xfa: {  	v3 =	vsel vm0, $0x3F800000, v0;
	v4 =	vld [tilespmem:s9+$0x10]  }
0xfb: {  	[tilespmem:s10+$0xFFFFFFE0] =	vst v3;
	vm0 =	vgt.f32 v5, v9;
	v3 =	vld [tilespmem:s12+$0x20]  }
0xfc: {  	v9 =	vsel vm0, $0x3F800000, v0;
	v6 =	vld [tilespmem:s9+$0x20]  }
0xfd: {  	v5 =	vld [tilespmem:s12+$0xFFFFFFC0];
	[tilespmem:s10+$0xFFFFFFF0] =	vst v9;
	vm0 =	vgt.f32 v7, v8;
	s12 =	sadd.s32 $0x80, s12  }
0xfe: {  	_ =	sdelay $0x1  }
0xff: {  	v7 =	vsel vm0, $0x3F800000, v0;
	vm0 =	vgt.f32 v2, v4  }
0x100: {  	[tilespmem:s10+$0x0] =	vst v7;
	v2 =	vsel vm0, $0x3F800000, v0;
	vm0 =	vgt.f32 v3, v6  }
0x101: {  	[tilespmem:s10+$0x10] =	vst v2;
	vm1 =	vgt.f32 v5, v1;
	v1 =	vsel vm0, $0x3F800000, v0  }
0x102: {  	v2 =	vsel vm1, $0x3F800000, v0;
	[tilespmem:s10+$0x20] =	vst v1  }
0x103: {  	[tilespmem:s10+$0xFFFFFFC0] =	vst v2  }
0x104: {  	s9 =	rddreg [dreg:$0xd]  }
0x105: {  	[hbm4b:s9+s1] =	stream.linear.scatter [tilespmem:s25], [sflag:$0x8], $0x2000, $0x38;
	[tilespmem:$0x1F428] =	vst v63  }
0x106: {  	s11 =	rddreg [dreg:$0xe]  }
0x107: {  	[tilespmem:s17], [sflag:$0x2] =	stream.linear.gather [hbm4b:s11+s1], $0x2000, $0x38;
	[tilespmem:$0x1F428] =	vst v63  }
0x108: {  	s12 =	rddreg [dreg:$0xf]  }
0x109: {  	[tilespmem:s19], [sflag:$0x6] =	stream.linear.gather [hbm4b:s12+s1], $0x2000, $0x38;
	[tilespmem:$0x1F428] =	vst v63  }
0x10a: {  	_ =	swait.ge [sflag:s5], $0x2000  }
0x10b: {  	[sflag:s5] =	ssyncset.done $0x0  }
0x10c: {  	[sflag:s5] =	ssyncadd.s32 $0xFFFFE000  }
0x10d: {  	[tilespmem:s22], [sflag:$0x4] =	stream.indirect.gather [spmem:s23], $0x1, s17, s4, $0xb8;
	[tilespmem:$0x1F428] =	vst v63  }
0x10e: {  	_ =	swait.ge [sflag:s28], $0x2000  }
0x10f: {  	[sflag:s28] =	ssyncset.done $0x0  }
0x110: {  	[sflag:s28] =	ssyncadd.s32 $0xFFFFE000  }
0x111: {  	_ =	swait.ge [sflag:s6], $0x2000  }
0x112: {  	[sflag:s6] =	ssyncset.done $0x0  }
0x113: {  	[sflag:s6] =	ssyncadd.s32 $0xFFFFE000  }
0x114: {  	_ =	swait.ge [sflag:s20], $0x2000  }
0x115: {  	[sflag:s20] =	ssyncset.done $0x0  }
0x116: {  	s12 =	simm.s32 $0x17468;
	[sflag:s20] =	ssyncadd.s32 $0xFFFFE000  }
0x117: {  	s9 =	simm.s32 $0x13468;
	v2 =	vld [tilespmem:s12+$0x30]  }
0x118: {  	v3 =	vld [tilespmem:s9+$0x30]  }
0x119: {  	v1 =	vld [tilespmem:s9+$0xFFFFFFC0]  }
0x11a: {  	v4 =	vld [tilespmem:s12+$0xFFFFFFD0]  }
0x11b: {  	v5 =	vld [tilespmem:s9+$0xFFFFFFD0]  }
0x11c: {  	v6 =	vld [tilespmem:s12+$0xFFFFFFE0]  }
0x11d: {  	v7 =	vld [tilespmem:s9+$0xFFFFFFE0]  }
0x11e: {  	v8 =	vld [tilespmem:s12+$0xFFFFFFF0]  }
0x11f: {  	v9 =	vld [tilespmem:s9+$0xFFFFFFF0]  }
0x120: {  	v10 =	vld [tilespmem:s12+$0x0]  }
0x121: {  	v11 =	vld [tilespmem:s9+$0x0];
	vm0 =	vgt.f32 v2, v3  }
0x122: {  	s10 =	simm.s32 $0x1B468;
	vm1 =	vgt.f32 v4, v5;
	v2 =	vld [tilespmem:s12+$0x10];
	v3 =	vsel vm0, $0x3F800000, v0  }
0x123: {  	v4 =	vld [tilespmem:s9+$0x10];
	vm0 =	vgt.f32 v6, v7;
	[tilespmem:s10+$0x30] =	vst v3;
	v3 =	vsel vm1, $0x3F800000, v0  }
0x124: {  	v6 =	vld [tilespmem:s9+$0x20];
	v5 =	vsel vm0, $0x3F800000, v0;
	vm0 =	vgt.f32 v8, v9;
	[tilespmem:s10+$0xFFFFFFD0] =	vst v3  }
0x125: {  	v3 =	vld [tilespmem:s12+$0x20];
	[tilespmem:s10+$0xFFFFFFE0] =	vst v5;
	v7 =	vsel vm0, $0x3F800000, v0  }
0x126: {  	s11 =	simm.s32 $0x0;
	v5 =	vld [tilespmem:s12+$0xFFFFFFC0];
	vm0 =	vgt.f32 v10, v11;
	s12 =	simm.s32 $0x174E8;
	[tilespmem:s10+$0xFFFFFFF0] =	vst v7  }
.LBB2_6:
0x127: {  	v7 =	vld [tilespmem:s12+$0x30];
	v8 =	vsel vm0, $0x3F800000, v0;
	s9 =	sadd.s32 $0x80, s9  }
0x128: {  	s11 =	sadd.s32 $0x80, s11;
	v9 =	vld [tilespmem:s9+$0x30];
	[tilespmem:s10+$0x0] =	vst v8;
	vm0 =	vgt.f32 v2, v4  }
0x129: {  	p1 =	slt.u32 s11, $0x1F80;
	v2 =	vld [tilespmem:s9+$0xFFFFFFC0];
	v4 =	vsel vm0, $0x3F800000, v0  }
0x12a: {  	v8 =	vld [tilespmem:s12+$0xFFFFFFD0];
	[tilespmem:s10+$0x10] =	vst v4;
	vm0 =	vgt.f32 v3, v6  }
0x12b: {  	v3 =	vld [tilespmem:s9+$0xFFFFFFD0];
	vm1 =	vgt.f32 v5, v1;
	v1 =	vsel vm0, $0x3F800000, v0  }
0x12c: {  	v4 =	vld [tilespmem:s12+$0xFFFFFFE0];
	v5 =	vsel vm1, $0x3F800000, v0;
	[tilespmem:s10+$0x20] =	vst v1  }
0x12d: {  	v6 =	vld [tilespmem:s9+$0xFFFFFFE0];
	vm0 =	vgt.f32 v7, v9;
	[tilespmem:s10+$0xFFFFFFC0] =	vst v5  }
0x12e: {  	s10 =	sadd.s32 $0x80, s10;
	v5 =	vld [tilespmem:s12+$0xFFFFFFF0];
	v7 =	vsel vm0, $0x3F800000, v0;
	v1 =	vmov v2  }
0x12f: {  	v9 =	vld [tilespmem:s9+$0xFFFFFFF0];
	[tilespmem:s10+$0x30] =	vst v7  }
0x130: {  	vm0 =	vgt.f32 v8, v3;
	v7 =	vld [tilespmem:s12+$0x0]  }
0x131: {  	v2 =	vsel vm0, $0x3F800000, v0;
	v8 =	vld [tilespmem:s9+$0x0]  }
.Ltmp2:
0x132: {  	[tilespmem:s10+$0xFFFFFFD0] =	vst v2;
	vm0 =	vgt.f32 v4, v6;
	v2 =	vld [tilespmem:s12+$0x10];
	(pc) =	sbr.rel @p1 .LBB2_6-.Ltmp2, $4  }
0x133: {  	v3 =	vsel vm0, $0x3F800000, v0;
	v4 =	vld [tilespmem:s9+$0x10]  }
0x134: {  	[tilespmem:s10+$0xFFFFFFE0] =	vst v3;
	vm0 =	vgt.f32 v5, v9;
	v3 =	vld [tilespmem:s12+$0x20]  }
0x135: {  	v9 =	vsel vm0, $0x3F800000, v0;
	v6 =	vld [tilespmem:s9+$0x20]  }
0x136: {  	v5 =	vld [tilespmem:s12+$0xFFFFFFC0];
	[tilespmem:s10+$0xFFFFFFF0] =	vst v9;
	vm0 =	vgt.f32 v7, v8;
	s12 =	sadd.s32 $0x80, s12  }
0x137: {  	_ =	sdelay $0x1  }
0x138: {  	v7 =	vsel vm0, $0x3F800000, v0;
	vm0 =	vgt.f32 v2, v4  }
0x139: {  	[tilespmem:s10+$0x0] =	vst v7;
	v2 =	vsel vm0, $0x3F800000, v0;
	vm0 =	vgt.f32 v3, v6  }
0x13a: {  	[tilespmem:s10+$0x10] =	vst v2;
	vm1 =	vgt.f32 v5, v1;
	v1 =	vsel vm0, $0x3F800000, v0  }
0x13b: {  	v2 =	vsel vm1, $0x3F800000, v0;
	[tilespmem:s10+$0x20] =	vst v1  }
0x13c: {  	[tilespmem:s10+$0xFFFFFFC0] =	vst v2  }
0x13d: {  	s9 =	rddreg [dreg:$0x10]  }
0x13e: {  	[hbm4b:s9+s1] =	stream.linear.scatter [tilespmem:s24], [sflag:$0x7], $0x2000, $0x38;
	[tilespmem:$0x1F428] =	vst v63  }
0x13f: {  	s11 =	rddreg [dreg:$0x11]  }
0x140: {  	[tilespmem:s16], [sflag:$0x1] =	stream.linear.gather [hbm4b:s11+s1], $0x2000, $0x38;
	[tilespmem:$0x1F428] =	vst v63  }
0x141: {  	s12 =	rddreg [dreg:$0x12]  }
0x142: {  	[tilespmem:s18], [sflag:$0x5] =	stream.linear.gather [hbm4b:s12+s1], $0x2000, $0x38;
	[tilespmem:$0x1F428] =	vst v63  }
0x143: {  	_ =	swait.ge [sflag:s3], $0x2000  }
0x144: {  	[sflag:s3] =	ssyncset.done $0x0  }
0x145: {  	[sflag:s3] =	ssyncadd.s32 $0xFFFFE000  }
0x146: {  	[tilespmem:s21], [sflag:$0x3] =	stream.indirect.gather [spmem:s23], $0x1, s16, s4, $0xb8;
	[tilespmem:$0x1F428] =	vst v63  }
0x147: {  	_ =	swait.ge [sflag:s30], $0x2000  }
0x148: {  	[sflag:s30] =	ssyncset.done $0x0  }
0x149: {  	[sflag:s30] =	ssyncadd.s32 $0xFFFFE000  }
0x14a: {  	_ =	swait.ge [sflag:s7], $0x2000  }
0x14b: {  	[sflag:s7] =	ssyncset.done $0x0  }
0x14c: {  	[sflag:s7] =	ssyncadd.s32 $0xFFFFE000  }
0x14d: {  	_ =	swait.ge [sflag:s2], $0x2000  }
0x14e: {  	[sflag:s2] =	ssyncset.done $0x0  }
0x14f: {  	s12 =	simm.s32 $0x19468;
	[sflag:s2] =	ssyncadd.s32 $0xFFFFE000  }
0x150: {  	s9 =	simm.s32 $0x15468;
	v2 =	vld [tilespmem:s12+$0x30]  }
0x151: {  	v3 =	vld [tilespmem:s9+$0x30]  }
0x152: {  	v1 =	vld [tilespmem:s9+$0xFFFFFFC0]  }
0x153: {  	v4 =	vld [tilespmem:s12+$0xFFFFFFD0]  }
0x154: {  	v5 =	vld [tilespmem:s9+$0xFFFFFFD0]  }
0x155: {  	v6 =	vld [tilespmem:s12+$0xFFFFFFE0]  }
0x156: {  	v7 =	vld [tilespmem:s9+$0xFFFFFFE0]  }
0x157: {  	v8 =	vld [tilespmem:s12+$0xFFFFFFF0]  }
0x158: {  	v9 =	vld [tilespmem:s9+$0xFFFFFFF0]  }
0x159: {  	v10 =	vld [tilespmem:s12+$0x0]  }
0x15a: {  	v11 =	vld [tilespmem:s9+$0x0];
	vm0 =	vgt.f32 v2, v3  }
0x15b: {  	s10 =	simm.s32 $0x1D468;
	vm1 =	vgt.f32 v4, v5;
	v2 =	vld [tilespmem:s12+$0x10];
	v3 =	vsel vm0, $0x3F800000, v0  }
0x15c: {  	v4 =	vld [tilespmem:s9+$0x10];
	vm0 =	vgt.f32 v6, v7;
	[tilespmem:s10+$0x30] =	vst v3;
	v3 =	vsel vm1, $0x3F800000, v0  }
0x15d: {  	v6 =	vld [tilespmem:s9+$0x20];
	v5 =	vsel vm0, $0x3F800000, v0;
	vm0 =	vgt.f32 v8, v9;
	[tilespmem:s10+$0xFFFFFFD0] =	vst v3  }
0x15e: {  	v3 =	vld [tilespmem:s12+$0x20];
	[tilespmem:s10+$0xFFFFFFE0] =	vst v5;
	v7 =	vsel vm0, $0x3F800000, v0  }
0x15f: {  	s11 =	simm.s32 $0x0;
	v5 =	vld [tilespmem:s12+$0xFFFFFFC0];
	vm0 =	vgt.f32 v10, v11;
	s12 =	simm.s32 $0x194E8;
	[tilespmem:s10+$0xFFFFFFF0] =	vst v7  }
.LBB2_8:
0x160: {  	v7 =	vld [tilespmem:s12+$0x30];
	v8 =	vsel vm0, $0x3F800000, v0;
	s9 =	sadd.s32 $0x80, s9  }
0x161: {  	s11 =	sadd.s32 $0x80, s11;
	v9 =	vld [tilespmem:s9+$0x30];
	[tilespmem:s10+$0x0] =	vst v8;
	vm0 =	vgt.f32 v2, v4  }
0x162: {  	p1 =	slt.u32 s11, $0x1F80;
	v2 =	vld [tilespmem:s9+$0xFFFFFFC0];
	v4 =	vsel vm0, $0x3F800000, v0  }
0x163: {  	v8 =	vld [tilespmem:s12+$0xFFFFFFD0];
	[tilespmem:s10+$0x10] =	vst v4;
	vm0 =	vgt.f32 v3, v6  }
0x164: {  	v3 =	vld [tilespmem:s9+$0xFFFFFFD0];
	vm1 =	vgt.f32 v5, v1;
	v1 =	vsel vm0, $0x3F800000, v0  }
0x165: {  	v4 =	vld [tilespmem:s12+$0xFFFFFFE0];
	v5 =	vsel vm1, $0x3F800000, v0;
	[tilespmem:s10+$0x20] =	vst v1  }
0x166: {  	v6 =	vld [tilespmem:s9+$0xFFFFFFE0];
	vm0 =	vgt.f32 v7, v9;
	[tilespmem:s10+$0xFFFFFFC0] =	vst v5  }
0x167: {  	s10 =	sadd.s32 $0x80, s10;
	v5 =	vld [tilespmem:s12+$0xFFFFFFF0];
	v7 =	vsel vm0, $0x3F800000, v0;
	v1 =	vmov v2  }
0x168: {  	v9 =	vld [tilespmem:s9+$0xFFFFFFF0];
	[tilespmem:s10+$0x30] =	vst v7  }
0x169: {  	vm0 =	vgt.f32 v8, v3;
	v7 =	vld [tilespmem:s12+$0x0]  }
0x16a: {  	v2 =	vsel vm0, $0x3F800000, v0;
	v8 =	vld [tilespmem:s9+$0x0]  }
.Ltmp3:
0x16b: {  	[tilespmem:s10+$0xFFFFFFD0] =	vst v2;
	vm0 =	vgt.f32 v4, v6;
	v2 =	vld [tilespmem:s12+$0x10];
	(pc) =	sbr.rel @p1 .LBB2_8-.Ltmp3, $4  }
0x16c: {  	v3 =	vsel vm0, $0x3F800000, v0;
	v4 =	vld [tilespmem:s9+$0x10]  }
0x16d: {  	[tilespmem:s10+$0xFFFFFFE0] =	vst v3;
	vm0 =	vgt.f32 v5, v9;
	v3 =	vld [tilespmem:s12+$0x20]  }
0x16e: {  	v9 =	vsel vm0, $0x3F800000, v0;
	v6 =	vld [tilespmem:s9+$0x20]  }
0x16f: {  	v5 =	vld [tilespmem:s12+$0xFFFFFFC0];
	[tilespmem:s10+$0xFFFFFFF0] =	vst v9;
	vm0 =	vgt.f32 v7, v8;
	s12 =	sadd.s32 $0x80, s12  }
0x170: {  	_ =	sdelay $0x1  }
0x171: {  	v7 =	vsel vm0, $0x3F800000, v0;
	vm0 =	vgt.f32 v2, v4  }
0x172: {  	[tilespmem:s10+$0x0] =	vst v7;
	v2 =	vsel vm0, $0x3F800000, v0;
	vm0 =	vgt.f32 v3, v6  }
0x173: {  	[tilespmem:s10+$0x10] =	vst v2;
	vm1 =	vgt.f32 v5, v1;
	v1 =	vsel vm0, $0x3F800000, v0  }
0x174: {  	v2 =	vsel vm1, $0x3F800000, v0;
	[tilespmem:s10+$0x20] =	vst v1  }
0x175: {  	[tilespmem:s10+$0xFFFFFFC0] =	vst v2  }
0x176: {  	s9 =	rddreg [dreg:$0x13]  }
0x177: {  	[hbm4b:s9+s1] =	stream.linear.scatter [tilespmem:s25], [sflag:$0x8], $0x2000, $0x38;
	[tilespmem:$0x1F428] =	vst v63  }
0x178: {  	s11 =	rddreg [dreg:$0x14]  }
0x179: {  	[tilespmem:s17], [sflag:$0x2] =	stream.linear.gather [hbm4b:s11+s1], $0x2000, $0x38;
	[tilespmem:$0x1F428] =	vst v63  }
0x17a: {  	s12 =	rddreg [dreg:$0x15]  }
0x17b: {  	[tilespmem:s19], [sflag:$0x6] =	stream.linear.gather [hbm4b:s12+s1], $0x2000, $0x38;
	[tilespmem:$0x1F428] =	vst v63  }
0x17c: {  	_ =	swait.ge [sflag:s5], $0x2000  }
0x17d: {  	[sflag:s5] =	ssyncset.done $0x0  }
0x17e: {  	[sflag:s5] =	ssyncadd.s32 $0xFFFFE000  }
0x17f: {  	[tilespmem:s22], [sflag:$0x4] =	stream.indirect.gather [spmem:s23], $0x1, s17, s4, $0xb8;
	[tilespmem:$0x1F428] =	vst v63  }
0x180: {  	_ =	swait.ge [sflag:s28], $0x2000  }
0x181: {  	[sflag:s28] =	ssyncset.done $0x0  }
0x182: {  	[sflag:s28] =	ssyncadd.s32 $0xFFFFE000  }
0x183: {  	_ =	swait.ge [sflag:s6], $0x2000  }
0x184: {  	[sflag:s6] =	ssyncset.done $0x0  }
0x185: {  	[sflag:s6] =	ssyncadd.s32 $0xFFFFE000  }
0x186: {  	_ =	swait.ge [sflag:s20], $0x2000  }
0x187: {  	[sflag:s20] =	ssyncset.done $0x0  }
0x188: {  	s12 =	simm.s32 $0x17468;
	[sflag:s20] =	ssyncadd.s32 $0xFFFFE000  }
0x189: {  	s9 =	simm.s32 $0x13468;
	v2 =	vld [tilespmem:s12+$0x30]  }
0x18a: {  	v3 =	vld [tilespmem:s9+$0x30]  }
0x18b: {  	v1 =	vld [tilespmem:s9+$0xFFFFFFC0]  }
0x18c: {  	v4 =	vld [tilespmem:s12+$0xFFFFFFD0]  }
0x18d: {  	v5 =	vld [tilespmem:s9+$0xFFFFFFD0]  }
0x18e: {  	v6 =	vld [tilespmem:s12+$0xFFFFFFE0]  }
0x18f: {  	v7 =	vld [tilespmem:s9+$0xFFFFFFE0]  }
0x190: {  	v8 =	vld [tilespmem:s12+$0xFFFFFFF0]  }
0x191: {  	v9 =	vld [tilespmem:s9+$0xFFFFFFF0]  }
0x192: {  	v10 =	vld [tilespmem:s12+$0x0]  }
0x193: {  	v11 =	vld [tilespmem:s9+$0x0];
	vm0 =	vgt.f32 v2, v3  }
0x194: {  	s10 =	simm.s32 $0x1B468;
	vm1 =	vgt.f32 v4, v5;
	v2 =	vld [tilespmem:s12+$0x10];
	v3 =	vsel vm0, $0x3F800000, v0  }
0x195: {  	v4 =	vld [tilespmem:s9+$0x10];
	vm0 =	vgt.f32 v6, v7;
	[tilespmem:s10+$0x30] =	vst v3;
	v3 =	vsel vm1, $0x3F800000, v0  }
0x196: {  	v6 =	vld [tilespmem:s9+$0x20];
	v5 =	vsel vm0, $0x3F800000, v0;
	vm0 =	vgt.f32 v8, v9;
	[tilespmem:s10+$0xFFFFFFD0] =	vst v3  }
0x197: {  	v3 =	vld [tilespmem:s12+$0x20];
	[tilespmem:s10+$0xFFFFFFE0] =	vst v5;
	v7 =	vsel vm0, $0x3F800000, v0  }
0x198: {  	s11 =	simm.s32 $0x0;
	v5 =	vld [tilespmem:s12+$0xFFFFFFC0];
	vm0 =	vgt.f32 v10, v11;
	s12 =	simm.s32 $0x174E8;
	[tilespmem:s10+$0xFFFFFFF0] =	vst v7  }
.LBB2_10:
0x199: {  	v7 =	vld [tilespmem:s12+$0x30];
	v8 =	vsel vm0, $0x3F800000, v0;
	s9 =	sadd.s32 $0x80, s9  }
0x19a: {  	s11 =	sadd.s32 $0x80, s11;
	v9 =	vld [tilespmem:s9+$0x30];
	[tilespmem:s10+$0x0] =	vst v8;
	vm0 =	vgt.f32 v2, v4  }
0x19b: {  	p1 =	slt.u32 s11, $0x1F80;
	v2 =	vld [tilespmem:s9+$0xFFFFFFC0];
	v4 =	vsel vm0, $0x3F800000, v0  }
0x19c: {  	v8 =	vld [tilespmem:s12+$0xFFFFFFD0];
	[tilespmem:s10+$0x10] =	vst v4;
	vm0 =	vgt.f32 v3, v6  }
0x19d: {  	v3 =	vld [tilespmem:s9+$0xFFFFFFD0];
	vm1 =	vgt.f32 v5, v1;
	v1 =	vsel vm0, $0x3F800000, v0  }
0x19e: {  	v4 =	vld [tilespmem:s12+$0xFFFFFFE0];
	v5 =	vsel vm1, $0x3F800000, v0;
	[tilespmem:s10+$0x20] =	vst v1  }
0x19f: {  	v6 =	vld [tilespmem:s9+$0xFFFFFFE0];
	vm0 =	vgt.f32 v7, v9;
	[tilespmem:s10+$0xFFFFFFC0] =	vst v5  }
0x1a0: {  	s10 =	sadd.s32 $0x80, s10;
	v5 =	vld [tilespmem:s12+$0xFFFFFFF0];
	v7 =	vsel vm0, $0x3F800000, v0;
	v1 =	vmov v2  }
0x1a1: {  	v9 =	vld [tilespmem:s9+$0xFFFFFFF0];
	[tilespmem:s10+$0x30] =	vst v7  }
0x1a2: {  	vm0 =	vgt.f32 v8, v3;
	v7 =	vld [tilespmem:s12+$0x0]  }
0x1a3: {  	v2 =	vsel vm0, $0x3F800000, v0;
	v8 =	vld [tilespmem:s9+$0x0]  }
.Ltmp4:
0x1a4: {  	[tilespmem:s10+$0xFFFFFFD0] =	vst v2;
	vm0 =	vgt.f32 v4, v6;
	v2 =	vld [tilespmem:s12+$0x10];
	(pc) =	sbr.rel @p1 .LBB2_10-.Ltmp4, $4  }
0x1a5: {  	v3 =	vsel vm0, $0x3F800000, v0;
	v4 =	vld [tilespmem:s9+$0x10]  }
0x1a6: {  	[tilespmem:s10+$0xFFFFFFE0] =	vst v3;
	vm0 =	vgt.f32 v5, v9;
	v3 =	vld [tilespmem:s12+$0x20]  }
0x1a7: {  	v9 =	vsel vm0, $0x3F800000, v0;
	v6 =	vld [tilespmem:s9+$0x20]  }
0x1a8: {  	v5 =	vld [tilespmem:s12+$0xFFFFFFC0];
	[tilespmem:s10+$0xFFFFFFF0] =	vst v9;
	vm0 =	vgt.f32 v7, v8;
	s12 =	sadd.s32 $0x80, s12  }
0x1a9: {  	_ =	sdelay $0x1  }
0x1aa: {  	v7 =	vsel vm0, $0x3F800000, v0;
	vm0 =	vgt.f32 v2, v4  }
0x1ab: {  	[tilespmem:s10+$0x0] =	vst v7;
	v2 =	vsel vm0, $0x3F800000, v0;
	vm0 =	vgt.f32 v3, v6  }
0x1ac: {  	[tilespmem:s10+$0x10] =	vst v2;
	vm1 =	vgt.f32 v5, v1;
	v1 =	vsel vm0, $0x3F800000, v0  }
0x1ad: {  	v2 =	vsel vm1, $0x3F800000, v0;
	[tilespmem:s10+$0x20] =	vst v1  }
0x1ae: {  	[tilespmem:s10+$0xFFFFFFC0] =	vst v2  }
0x1af: {  	s9 =	rddreg [dreg:$0x16]  }
0x1b0: {  	[hbm4b:s9+s1] =	stream.linear.scatter [tilespmem:s24], [sflag:$0x7], $0x2000, $0x38;
	[tilespmem:$0x1F428] =	vst v63  }
0x1b1: {  	s11 =	rddreg [dreg:$0x18]  }
0x1b2: {  	[tilespmem:s16], [sflag:$0x1] =	stream.linear.gather [hbm4b:s11+s1], $0x2000, $0x38;
	[tilespmem:$0x1F428] =	vst v63  }
0x1b3: {  	s12 =	rddreg [dreg:$0x1a]  }
0x1b4: {  	[tilespmem:s18], [sflag:$0x5] =	stream.linear.gather [hbm4b:s12+s1], $0x2000, $0x38;
	[tilespmem:$0x1F428] =	vst v63  }
0x1b5: {  	_ =	swait.ge [sflag:s3], $0x2000  }
0x1b6: {  	[sflag:s3] =	ssyncset.done $0x0  }
0x1b7: {  	[sflag:s3] =	ssyncadd.s32 $0xFFFFE000  }
0x1b8: {  	[tilespmem:s21], [sflag:$0x3] =	stream.indirect.gather [spmem:s23], $0x1, s16, s4, $0xb8;
	[tilespmem:$0x1F428] =	vst v63  }
0x1b9: {  	_ =	swait.ge [sflag:s30], $0x2000  }
0x1ba: {  	[sflag:s30] =	ssyncset.done $0x0  }
0x1bb: {  	[sflag:s30] =	ssyncadd.s32 $0xFFFFE000  }
0x1bc: {  	_ =	swait.ge [sflag:s7], $0x2000  }
0x1bd: {  	[sflag:s7] =	ssyncset.done $0x0  }
0x1be: {  	[sflag:s7] =	ssyncadd.s32 $0xFFFFE000  }
0x1bf: {  	_ =	swait.ge [sflag:s2], $0x2000  }
0x1c0: {  	[sflag:s2] =	ssyncset.done $0x0  }
0x1c1: {  	s12 =	simm.s32 $0x19468;
	[sflag:s2] =	ssyncadd.s32 $0xFFFFE000  }
0x1c2: {  	s9 =	simm.s32 $0x15468;
	v2 =	vld [tilespmem:s12+$0x30]  }
0x1c3: {  	v3 =	vld [tilespmem:s9+$0x30]  }
0x1c4: {  	v1 =	vld [tilespmem:s9+$0xFFFFFFC0]  }
0x1c5: {  	v4 =	vld [tilespmem:s12+$0xFFFFFFD0]  }
0x1c6: {  	v5 =	vld [tilespmem:s9+$0xFFFFFFD0]  }
0x1c7: {  	v6 =	vld [tilespmem:s12+$0xFFFFFFE0]  }
0x1c8: {  	v7 =	vld [tilespmem:s9+$0xFFFFFFE0]  }
0x1c9: {  	v8 =	vld [tilespmem:s12+$0xFFFFFFF0]  }
0x1ca: {  	v9 =	vld [tilespmem:s9+$0xFFFFFFF0]  }
0x1cb: {  	v10 =	vld [tilespmem:s12+$0x0]  }
0x1cc: {  	v11 =	vld [tilespmem:s9+$0x0];
	vm0 =	vgt.f32 v2, v3  }
0x1cd: {  	s10 =	simm.s32 $0x1D468;
	vm1 =	vgt.f32 v4, v5;
	v2 =	vld [tilespmem:s12+$0x10];
	v3 =	vsel vm0, $0x3F800000, v0  }
0x1ce: {  	v4 =	vld [tilespmem:s9+$0x10];
	vm0 =	vgt.f32 v6, v7;
	[tilespmem:s10+$0x30] =	vst v3;
	v3 =	vsel vm1, $0x3F800000, v0  }
0x1cf: {  	v6 =	vld [tilespmem:s9+$0x20];
	v5 =	vsel vm0, $0x3F800000, v0;
	vm0 =	vgt.f32 v8, v9;
	[tilespmem:s10+$0xFFFFFFD0] =	vst v3  }
0x1d0: {  	v3 =	vld [tilespmem:s12+$0x20];
	[tilespmem:s10+$0xFFFFFFE0] =	vst v5;
	v7 =	vsel vm0, $0x3F800000, v0  }
0x1d1: {  	s11 =	simm.s32 $0x0;
	v5 =	vld [tilespmem:s12+$0xFFFFFFC0];
	vm0 =	vgt.f32 v10, v11;
	s12 =	simm.s32 $0x194E8;
	[tilespmem:s10+$0xFFFFFFF0] =	vst v7  }
.LBB2_12:
0x1d2: {  	v7 =	vld [tilespmem:s12+$0x30];
	v8 =	vsel vm0, $0x3F800000, v0;
	s9 =	sadd.s32 $0x80, s9  }
0x1d3: {  	s11 =	sadd.s32 $0x80, s11;
	v9 =	vld [tilespmem:s9+$0x30];
	[tilespmem:s10+$0x0] =	vst v8;
	vm0 =	vgt.f32 v2, v4  }
0x1d4: {  	p1 =	slt.u32 s11, $0x1F80;
	v2 =	vld [tilespmem:s9+$0xFFFFFFC0];
	v4 =	vsel vm0, $0x3F800000, v0  }
0x1d5: {  	v8 =	vld [tilespmem:s12+$0xFFFFFFD0];
	[tilespmem:s10+$0x10] =	vst v4;
	vm0 =	vgt.f32 v3, v6  }
0x1d6: {  	v3 =	vld [tilespmem:s9+$0xFFFFFFD0];
	vm1 =	vgt.f32 v5, v1;
	v1 =	vsel vm0, $0x3F800000, v0  }
0x1d7: {  	v4 =	vld [tilespmem:s12+$0xFFFFFFE0];
	v5 =	vsel vm1, $0x3F800000, v0;
	[tilespmem:s10+$0x20] =	vst v1  }
0x1d8: {  	v6 =	vld [tilespmem:s9+$0xFFFFFFE0];
	vm0 =	vgt.f32 v7, v9;
	[tilespmem:s10+$0xFFFFFFC0] =	vst v5  }
0x1d9: {  	s10 =	sadd.s32 $0x80, s10;
	v5 =	vld [tilespmem:s12+$0xFFFFFFF0];
	v7 =	vsel vm0, $0x3F800000, v0;
	v1 =	vmov v2  }
0x1da: {  	v9 =	vld [tilespmem:s9+$0xFFFFFFF0];
	[tilespmem:s10+$0x30] =	vst v7  }
0x1db: {  	vm0 =	vgt.f32 v8, v3;
	v7 =	vld [tilespmem:s12+$0x0]  }
0x1dc: {  	v2 =	vsel vm0, $0x3F800000, v0;
	v8 =	vld [tilespmem:s9+$0x0]  }
.Ltmp5:
0x1dd: {  	[tilespmem:s10+$0xFFFFFFD0] =	vst v2;
	vm0 =	vgt.f32 v4, v6;
	v2 =	vld [tilespmem:s12+$0x10];
	(pc) =	sbr.rel @p1 .LBB2_12-.Ltmp5, $4  }
0x1de: {  	v3 =	vsel vm0, $0x3F800000, v0;
	v4 =	vld [tilespmem:s9+$0x10]  }
0x1df: {  	[tilespmem:s10+$0xFFFFFFE0] =	vst v3;
	vm0 =	vgt.f32 v5, v9;
	v3 =	vld [tilespmem:s12+$0x20]  }
0x1e0: {  	v9 =	vsel vm0, $0x3F800000, v0;
	v6 =	vld [tilespmem:s9+$0x20]  }
0x1e1: {  	v5 =	vld [tilespmem:s12+$0xFFFFFFC0];
	[tilespmem:s10+$0xFFFFFFF0] =	vst v9;
	vm0 =	vgt.f32 v7, v8;
	s12 =	sadd.s32 $0x80, s12  }
0x1e2: {  	_ =	sdelay $0x1  }
0x1e3: {  	v7 =	vsel vm0, $0x3F800000, v0;
	vm0 =	vgt.f32 v2, v4  }
0x1e4: {  	[tilespmem:s10+$0x0] =	vst v7;
	v2 =	vsel vm0, $0x3F800000, v0;
	vm0 =	vgt.f32 v3, v6  }
0x1e5: {  	[tilespmem:s10+$0x10] =	vst v2;
	vm1 =	vgt.f32 v5, v1;
	v1 =	vsel vm0, $0x3F800000, v0  }
0x1e6: {  	v2 =	vsel vm1, $0x3F800000, v0;
	[tilespmem:s10+$0x20] =	vst v1  }
0x1e7: {  	[tilespmem:s10+$0xFFFFFFC0] =	vst v2  }
0x1e8: {  	s9 =	rddreg [dreg:$0x17]  }
0x1e9: {  	[hbm4b:s9+s1] =	stream.linear.scatter [tilespmem:s25], [sflag:$0x8], $0x2000, $0x38;
	[tilespmem:$0x1F428] =	vst v63  }
0x1ea: {  	s11 =	rddreg [dreg:$0x19]  }
0x1eb: {  	[tilespmem:s17], [sflag:$0x2] =	stream.linear.gather [hbm4b:s11+s1], $0x2000, $0x38;
	[tilespmem:$0x1F428] =	vst v63  }
0x1ec: {  	s12 =	rddreg [dreg:$0x1b]  }
0x1ed: {  	[tilespmem:s19], [sflag:$0x6] =	stream.linear.gather [hbm4b:s12+s1], $0x2000, $0x38;
	[tilespmem:$0x1F428] =	vst v63  }
0x1ee: {  	_ =	swait.ge [sflag:s5], $0x2000  }
0x1ef: {  	[sflag:s5] =	ssyncset.done $0x0  }
0x1f0: {  	[sflag:s5] =	ssyncadd.s32 $0xFFFFE000  }
0x1f1: {  	[tilespmem:s22], [sflag:$0x4] =	stream.indirect.gather [spmem:s23], $0x1, s17, s4, $0xb8;
	[tilespmem:$0x1F428] =	vst v63  }
0x1f2: {  	_ =	swait.ge [sflag:s28], $0x2000  }
0x1f3: {  	[sflag:s28] =	ssyncset.done $0x0  }
0x1f4: {  	[sflag:s28] =	ssyncadd.s32 $0xFFFFE000  }
0x1f5: {  	_ =	swait.ge [sflag:s6], $0x2000  }
0x1f6: {  	[sflag:s6] =	ssyncset.done $0x0  }
0x1f7: {  	[sflag:s6] =	ssyncadd.s32 $0xFFFFE000  }
0x1f8: {  	_ =	swait.ge [sflag:s20], $0x2000  }
0x1f9: {  	[sflag:s20] =	ssyncset.done $0x0  }
0x1fa: {  	s12 =	simm.s32 $0x17468;
	[sflag:s20] =	ssyncadd.s32 $0xFFFFE000  }
0x1fb: {  	s9 =	simm.s32 $0x13468;
	v2 =	vld [tilespmem:s12+$0x30]  }
0x1fc: {  	v3 =	vld [tilespmem:s9+$0x30]  }
0x1fd: {  	v1 =	vld [tilespmem:s9+$0xFFFFFFC0]  }
0x1fe: {  	v4 =	vld [tilespmem:s12+$0xFFFFFFD0]  }
0x1ff: {  	v5 =	vld [tilespmem:s9+$0xFFFFFFD0]  }
0x200: {  	v6 =	vld [tilespmem:s12+$0xFFFFFFE0]  }
0x201: {  	v7 =	vld [tilespmem:s9+$0xFFFFFFE0]  }
0x202: {  	v8 =	vld [tilespmem:s12+$0xFFFFFFF0]  }
0x203: {  	v9 =	vld [tilespmem:s9+$0xFFFFFFF0]  }
0x204: {  	v10 =	vld [tilespmem:s12+$0x0]  }
0x205: {  	v11 =	vld [tilespmem:s9+$0x0];
	vm0 =	vgt.f32 v2, v3  }
0x206: {  	s10 =	simm.s32 $0x1B468;
	vm1 =	vgt.f32 v4, v5;
	v2 =	vld [tilespmem:s12+$0x10];
	v3 =	vsel vm0, $0x3F800000, v0  }
0x207: {  	v4 =	vld [tilespmem:s9+$0x10];
	vm0 =	vgt.f32 v6, v7;
	[tilespmem:s10+$0x30] =	vst v3;
	v3 =	vsel vm1, $0x3F800000, v0  }
0x208: {  	v6 =	vld [tilespmem:s9+$0x20];
	v5 =	vsel vm0, $0x3F800000, v0;
	vm0 =	vgt.f32 v8, v9;
	[tilespmem:s10+$0xFFFFFFD0] =	vst v3  }
0x209: {  	v3 =	vld [tilespmem:s12+$0x20];
	[tilespmem:s10+$0xFFFFFFE0] =	vst v5;
	v7 =	vsel vm0, $0x3F800000, v0  }
0x20a: {  	s11 =	simm.s32 $0x0;
	v5 =	vld [tilespmem:s12+$0xFFFFFFC0];
	vm0 =	vgt.f32 v10, v11;
	s12 =	simm.s32 $0x174E8;
	[tilespmem:s10+$0xFFFFFFF0] =	vst v7  }
.LBB2_14:
0x20b: {  	v7 =	vld [tilespmem:s12+$0x30];
	v8 =	vsel vm0, $0x3F800000, v0;
	s9 =	sadd.s32 $0x80, s9  }
0x20c: {  	s11 =	sadd.s32 $0x80, s11;
	v9 =	vld [tilespmem:s9+$0x30];
	[tilespmem:s10+$0x0] =	vst v8;
	vm0 =	vgt.f32 v2, v4  }
0x20d: {  	p1 =	slt.u32 s11, $0x1F80;
	v2 =	vld [tilespmem:s9+$0xFFFFFFC0];
	v4 =	vsel vm0, $0x3F800000, v0  }
0x20e: {  	v8 =	vld [tilespmem:s12+$0xFFFFFFD0];
	[tilespmem:s10+$0x10] =	vst v4;
	vm0 =	vgt.f32 v3, v6  }
0x20f: {  	v3 =	vld [tilespmem:s9+$0xFFFFFFD0];
	vm1 =	vgt.f32 v5, v1;
	v1 =	vsel vm0, $0x3F800000, v0  }
0x210: {  	v4 =	vld [tilespmem:s12+$0xFFFFFFE0];
	v5 =	vsel vm1, $0x3F800000, v0;
	[tilespmem:s10+$0x20] =	vst v1  }
0x211: {  	v6 =	vld [tilespmem:s9+$0xFFFFFFE0];
	vm0 =	vgt.f32 v7, v9;
	[tilespmem:s10+$0xFFFFFFC0] =	vst v5  }
0x212: {  	s10 =	sadd.s32 $0x80, s10;
	v5 =	vld [tilespmem:s12+$0xFFFFFFF0];
	v7 =	vsel vm0, $0x3F800000, v0;
	v1 =	vmov v2  }
0x213: {  	v9 =	vld [tilespmem:s9+$0xFFFFFFF0];
	[tilespmem:s10+$0x30] =	vst v7  }
0x214: {  	vm0 =	vgt.f32 v8, v3;
	v7 =	vld [tilespmem:s12+$0x0]  }
0x215: {  	v2 =	vsel vm0, $0x3F800000, v0;
	v8 =	vld [tilespmem:s9+$0x0]  }
.Ltmp6:
0x216: {  	[tilespmem:s10+$0xFFFFFFD0] =	vst v2;
	vm0 =	vgt.f32 v4, v6;
	v2 =	vld [tilespmem:s12+$0x10];
	(pc) =	sbr.rel @p1 .LBB2_14-.Ltmp6, $4  }
0x217: {  	v3 =	vsel vm0, $0x3F800000, v0;
	v4 =	vld [tilespmem:s9+$0x10]  }
0x218: {  	[tilespmem:s10+$0xFFFFFFE0] =	vst v3;
	vm0 =	vgt.f32 v5, v9;
	v3 =	vld [tilespmem:s12+$0x20]  }
0x219: {  	v9 =	vsel vm0, $0x3F800000, v0;
	v6 =	vld [tilespmem:s9+$0x20]  }
0x21a: {  	v5 =	vld [tilespmem:s12+$0xFFFFFFC0];
	[tilespmem:s10+$0xFFFFFFF0] =	vst v9;
	vm0 =	vgt.f32 v7, v8;
	s12 =	sadd.s32 $0x80, s12  }
0x21b: {  	_ =	sdelay $0x1  }
0x21c: {  	v7 =	vsel vm0, $0x3F800000, v0;
	vm0 =	vgt.f32 v2, v4  }
0x21d: {  	[tilespmem:s10+$0x0] =	vst v7;
	v2 =	vsel vm0, $0x3F800000, v0;
	vm0 =	vgt.f32 v3, v6  }
0x21e: {  	[tilespmem:s10+$0x10] =	vst v2;
	vm1 =	vgt.f32 v5, v1;
	v1 =	vsel vm0, $0x3F800000, v0  }
0x21f: {  	v2 =	vsel vm1, $0x3F800000, v0;
	[tilespmem:s10+$0x20] =	vst v1  }
0x220: {  	[tilespmem:s10+$0xFFFFFFC0] =	vst v2  }
0x221: {  	s9 =	rddreg [dreg:$0x1c]  }
0x222: {  	[hbm4b:s9+s1] =	stream.linear.scatter [tilespmem:s24], [sflag:$0x7], $0x2000, $0x38;
	[tilespmem:$0x1F428] =	vst v63  }
0x223: {  	_ =	swait.ge [sflag:s30], $0x2000  }
0x224: {  	[sflag:s30] =	ssyncset.done $0x0  }
0x225: {  	[sflag:s30] =	ssyncadd.s32 $0xFFFFE000  }
0x226: {  	_ =	swait.ge [sflag:s7], $0x2000  }
0x227: {  	[sflag:s7] =	ssyncset.done $0x0  }
0x228: {  	[sflag:s7] =	ssyncadd.s32 $0xFFFFE000  }
0x229: {  	_ =	swait.ge [sflag:s2], $0x2000  }
0x22a: {  	[sflag:s2] =	ssyncset.done $0x0  }
0x22b: {  	s12 =	simm.s32 $0x19468;
	[sflag:s2] =	ssyncadd.s32 $0xFFFFE000  }
0x22c: {  	s9 =	simm.s32 $0x15468;
	v2 =	vld [tilespmem:s12+$0x30]  }
0x22d: {  	v3 =	vld [tilespmem:s9+$0x30]  }
0x22e: {  	v1 =	vld [tilespmem:s9+$0xFFFFFFC0]  }
0x22f: {  	v4 =	vld [tilespmem:s12+$0xFFFFFFD0]  }
0x230: {  	v5 =	vld [tilespmem:s9+$0xFFFFFFD0]  }
0x231: {  	v6 =	vld [tilespmem:s12+$0xFFFFFFE0]  }
0x232: {  	v7 =	vld [tilespmem:s9+$0xFFFFFFE0]  }
0x233: {  	v8 =	vld [tilespmem:s12+$0xFFFFFFF0]  }
0x234: {  	v9 =	vld [tilespmem:s9+$0xFFFFFFF0]  }
0x235: {  	v10 =	vld [tilespmem:s12+$0x0]  }
0x236: {  	v11 =	vld [tilespmem:s9+$0x0];
	vm0 =	vgt.f32 v2, v3  }
0x237: {  	s10 =	simm.s32 $0x1D468;
	vm1 =	vgt.f32 v4, v5;
	v2 =	vld [tilespmem:s12+$0x10];
	v3 =	vsel vm0, $0x3F800000, v0  }
0x238: {  	v4 =	vld [tilespmem:s9+$0x10];
	vm0 =	vgt.f32 v6, v7;
	[tilespmem:s10+$0x30] =	vst v3;
	v3 =	vsel vm1, $0x3F800000, v0  }
0x239: {  	v6 =	vld [tilespmem:s9+$0x20];
	v5 =	vsel vm0, $0x3F800000, v0;
	vm0 =	vgt.f32 v8, v9;
	[tilespmem:s10+$0xFFFFFFD0] =	vst v3  }
0x23a: {  	v3 =	vld [tilespmem:s12+$0x20];
	[tilespmem:s10+$0xFFFFFFE0] =	vst v5;
	v7 =	vsel vm0, $0x3F800000, v0  }
0x23b: {  	s11 =	simm.s32 $0x0;
	v5 =	vld [tilespmem:s12+$0xFFFFFFC0];
	vm0 =	vgt.f32 v10, v11;
	s12 =	simm.s32 $0x194E8;
	[tilespmem:s10+$0xFFFFFFF0] =	vst v7  }
.LBB2_16:
0x23c: {  	v7 =	vld [tilespmem:s12+$0x30];
	v8 =	vsel vm0, $0x3F800000, v0;
	s9 =	sadd.s32 $0x80, s9  }
0x23d: {  	s11 =	sadd.s32 $0x80, s11;
	v9 =	vld [tilespmem:s9+$0x30];
	[tilespmem:s10+$0x0] =	vst v8;
	vm0 =	vgt.f32 v2, v4  }
0x23e: {  	p1 =	slt.u32 s11, $0x1F80;
	v2 =	vld [tilespmem:s9+$0xFFFFFFC0];
	v4 =	vsel vm0, $0x3F800000, v0  }
0x23f: {  	v8 =	vld [tilespmem:s12+$0xFFFFFFD0];
	[tilespmem:s10+$0x10] =	vst v4;
	vm0 =	vgt.f32 v3, v6  }
0x240: {  	v3 =	vld [tilespmem:s9+$0xFFFFFFD0];
	vm1 =	vgt.f32 v5, v1;
	v1 =	vsel vm0, $0x3F800000, v0  }
0x241: {  	v4 =	vld [tilespmem:s12+$0xFFFFFFE0];
	v5 =	vsel vm1, $0x3F800000, v0;
	[tilespmem:s10+$0x20] =	vst v1  }
0x242: {  	v6 =	vld [tilespmem:s9+$0xFFFFFFE0];
	vm0 =	vgt.f32 v7, v9;
	[tilespmem:s10+$0xFFFFFFC0] =	vst v5  }
0x243: {  	s10 =	sadd.s32 $0x80, s10;
	v5 =	vld [tilespmem:s12+$0xFFFFFFF0];
	v7 =	vsel vm0, $0x3F800000, v0;
	v1 =	vmov v2  }
0x244: {  	v9 =	vld [tilespmem:s9+$0xFFFFFFF0];
	[tilespmem:s10+$0x30] =	vst v7  }
0x245: {  	vm0 =	vgt.f32 v8, v3;
	v7 =	vld [tilespmem:s12+$0x0]  }
0x246: {  	v2 =	vsel vm0, $0x3F800000, v0;
	v8 =	vld [tilespmem:s9+$0x0]  }
.Ltmp7:
0x247: {  	[tilespmem:s10+$0xFFFFFFD0] =	vst v2;
	vm0 =	vgt.f32 v4, v6;
	v2 =	vld [tilespmem:s12+$0x10];
	(pc) =	sbr.rel @p1 .LBB2_16-.Ltmp7, $4  }
0x248: {  	v3 =	vsel vm0, $0x3F800000, v0;
	v4 =	vld [tilespmem:s9+$0x10]  }
0x249: {  	[tilespmem:s10+$0xFFFFFFE0] =	vst v3;
	vm0 =	vgt.f32 v5, v9;
	v3 =	vld [tilespmem:s12+$0x20]  }
0x24a: {  	v9 =	vsel vm0, $0x3F800000, v0;
	v6 =	vld [tilespmem:s9+$0x20]  }
0x24b: {  	v5 =	vld [tilespmem:s12+$0xFFFFFFC0];
	[tilespmem:s10+$0xFFFFFFF0] =	vst v9;
	vm0 =	vgt.f32 v7, v8;
	s12 =	sadd.s32 $0x80, s12  }
0x24c: {  	_ =	sdelay $0x1  }
0x24d: {  	v7 =	vsel vm0, $0x3F800000, v0;
	vm14 =	vgt.f32 v2, v4  }
0x24e: {  	[tilespmem:s10+$0x0] =	vst v7;
	v2 =	vsel vm14, $0x3F800000, v0;
	vm15 =	vgt.f32 v3, v6  }
0x24f: {  	[tilespmem:s10+$0x10] =	vst v2;
	vm1 =	vgt.f32 v5, v1;
	v1 =	vsel vm15, $0x3F800000, v0  }
0x250: {  	v2 =	vsel vm1, $0x3F800000, v0;
	[tilespmem:s10+$0x20] =	vst v1  }
0x251: {  	[tilespmem:s10+$0xFFFFFFC0] =	vst v2  }
0x252: {  	s8 =	sadd.s32 $0x1, s8;
	s9 =	rddreg [dreg:$0x1d]  }
0x253: {  	[hbm4b:s9+s1] =	stream.linear.scatter [tilespmem:s25], [sflag:$0x8], $0x2000, $0x38;
	[tilespmem:$0x1F428] =	vst v63  }
0x254: {  	p1 =	sne.s32 s8, s14;
	_ =	swait.ge [sflag:s20], $0x2000  }
.Ltmp8:
0x255: {  	[sflag:s20] =	ssyncset.done $0x0;
	(pc) =	sbr.rel @p1 .LBB2_1-.Ltmp8, $4  }
0x256: {  	[sflag:s20] =	ssyncadd.s32 $0xFFFFE000  }
0x257: {  	_ =	swait.ge [sflag:s2], $0x2000  }
0x258: {  	[sflag:s2] =	ssyncset.done $0x0  }
0x259: {  	[sflag:s2] =	ssyncadd.s32 $0xFFFFE000  }
0x25a: {  	_ =	sfence.sel $0x180000  }
0x25b: {  	[bflag:$0x0] =	sbarrier.arrive $0xFFFF  }
0x25c: {  	_ =	strace $0x90000047  }
0x25d: {  	s0 =	stileid.u32;
	[bflag:$0x2] =	sbarrier.arrive $0xFFFF  }
0x25e: {  	p0 =	sne.s32 s0, $0x0;
	s0 =	rddreg [dreg:$0x5]  }
0x25f: {  	s0 =	sadd.s32 @!p0 $0x100000, s0  }
0x260: {  	[sflag:s0] =	ssyncadd.tile.s32 @!p0 $0x1;
	_ =	shalt  }
.Lfunc_end2:
_tile_overlayer_lowered:
.L_overlay_start_2:
0x261: {  	(tag) =	ssettag $0x2  }
0x262: {  	s0 =	rddreg [dreg:$0x0];
	s2 =	stileid.u32  }
0x263: {  	s1 =	rddreg [dreg:$0x1];
	p0 =	sne.s32 s2, $0x0  }
0x264: {  	s3 =	rddreg [dreg:$0x2];
	[bflag:$0x3] =	sbarrier.arrive $0xFFFF;
	s2 =	simm.s32 @!p0 $0x1C0D  }
0x265: {  	[timem:s3], [sflag:s2] =	dma.local @!p0 [hbm:s0], s1  }
0x266: {  	s0 =	simm.s32 @!p0 $0xD  }
0x267: {  	_ =	swait.ge @!p0 [sflag:s0], s1  }
0x268: {  	s1 =	ssub.s32 @!p0 $0x0, s1;
	[sflag:s0] =	ssyncset.done @!p0 $0x0  }
0x269: {  	[sflag:s0] =	ssyncadd.s32 @!p0 s1  }
0x26a: {  	[bflag:$0x3] =	sbarrier.arrive $0xFFFF  }
0x26b: {  	_ =	shalt  }

</sc_bundles>
